<compile_context>
chip_gen: v7x
topology: tpu7x:2x2x1
jax: 0.10.2.dev20260603
libtpu: 0.0.44.dev20260713+nightly
codegen_flags: <defaults>
</compile_context>

<pallas_src>
import functools

import jax
import jax.numpy as jnp
from jax import lax
from jax.experimental import pallas as pl
from jax.experimental.pallas import tpu as pltpu
from jax.experimental.pallas import tpu_sc as plsc

N = 10000
D = 128
E = 320000

NC = 2
NS = 16
NW = NC * NS

N_PAD = 10240
E_PAD = 327680
EPT = E_PAD // NW
CH = 128
NCH = EPT // CH
RPT = N_PAD // NS
DEG_W = 16
ZR = 64
CPB = 8
NCH0 = 80
NCH1 = 80


def _deg_body(col_hbm, out_hbm, ones_v, idx_v, buf_v, acc_sh):
    c = lax.axis_index("c")
    s = lax.axis_index("s")
    wid = c * NS + s

    def fill(i, carry):
        ones_v[i, :] = jnp.ones((16,), jnp.float32)
        return carry

    lax.fori_loop(0, CH, fill, 0)

    def fillz(i, carry):
        buf_v[i, :] = jnp.zeros((16,), jnp.float32)
        return carry

    lax.fori_loop(0, ZR, fillz, 0)

    def zero_copy(t, carry):
        pltpu.sync_copy(buf_v, acc_sh.at[pl.ds(s * RPT + t * ZR, ZR)])
        return carry

    lax.fori_loop(0, RPT // ZR, zero_copy, 0)
    plsc.subcore_barrier()

    def chunk(j, carry):
        base = wid * EPT + j * CH
        pltpu.sync_copy(col_hbm.at[pl.ds(base, CH)], idx_v)
        pltpu.sync_copy(ones_v, acc_sh.at[idx_v], add=True)
        return carry

    lax.fori_loop(0, NCH, chunk, 0)
    plsc.subcore_barrier()

    def read_copy(t, carry):
        pltpu.sync_copy(acc_sh.at[pl.ds(s * RPT + t * ZR, ZR)], buf_v)
        pltpu.sync_copy(buf_v, out_hbm.at[c, pl.ds(s * RPT + t * ZR, ZR)])
        return carry

    lax.fori_loop(0, RPT // ZR, read_copy, 0)


def _aggr_body(hs_hbm, row2_hbm, col2_hbm, out_hbm,
               ridx_v, cidx_v, rows0_v, rows1_v, acc_sh, g0, g1):
    c = lax.axis_index("c")
    s = lax.axis_index("s")
    wid = c * NS + s

    def fill_zero(k, carry):
        rows0_v[k // 8, pl.ds((k % 8) * 16, 16)] = jnp.zeros((16,), jnp.float32)
        return carry

    lax.fori_loop(0, CH * 8, fill_zero, 0)

    def zero_copy(t, carry):
        pltpu.sync_copy(rows0_v, acc_sh.at[pl.ds(s * RPT + t * CH, CH)])
        return carry

    lax.fori_loop(0, RPT // CH, zero_copy, 0)
    plsc.subcore_barrier()

    def gstart(chunk, buf, sem):
        pltpu.async_copy(hs_hbm.at[ridx_v.at[chunk]], buf, sem)

    def gwait(buf, sem):
        pltpu.make_async_copy(hs_hbm.at[pl.ds(0, CH)], buf, sem).wait()

    def scat(chunk, buf):
        pltpu.sync_copy(buf, acc_sh.at[cidx_v.at[chunk]], add=True)

    tile_chunk0 = (1 - c) * (s * NCH0) + c * (NS * NCH0 + s * NCH1)
    nblk = ((1 - c) * NCH0 + c * NCH1) // CPB

    def block(ib, carry):
        cbase = tile_chunk0 + ib * CPB
        pltpu.sync_copy(row2_hbm.at[pl.ds(cbase, CPB)], ridx_v)
        pltpu.sync_copy(col2_hbm.at[pl.ds(cbase, CPB)], cidx_v)
        gstart(0, rows0_v, g0)

        def it(j2, carry2):
            gstart(2 * j2 + 1, rows1_v, g1)
            gwait(rows0_v, g0)
            scat(2 * j2, rows0_v)
            gstart(2 * j2 + 2, rows0_v, g0)
            gwait(rows1_v, g1)
            scat(2 * j2 + 1, rows1_v)
            return carry2

        lax.fori_loop(0, CPB // 2 - 1, it, 0)
        gstart(CPB - 1, rows1_v, g1)
        gwait(rows0_v, g0)
        scat(CPB - 2, rows0_v)
        gwait(rows1_v, g1)
        scat(CPB - 1, rows1_v)
        return carry

    lax.fori_loop(0, nblk, block, 0)
    plsc.subcore_barrier()

    def read_copy(t, carry):
        pltpu.sync_copy(acc_sh.at[pl.ds(s * RPT + t * CH, CH)], rows0_v)
        pltpu.sync_copy(rows0_v, out_hbm.at[c, pl.ds(s * RPT + t * CH, CH)])
        return carry

    lax.fori_loop(0, RPT // CH, read_copy, 0)


@functools.lru_cache(maxsize=1)
def _sc_kernels():
    mesh = plsc.VectorSubcoreMesh(core_axis_name="c", subcore_axis_name="s")
    deg_kernel = pl.kernel(
        _deg_body,
        out_type=jax.ShapeDtypeStruct((NC, N_PAD, DEG_W), jnp.float32),
        mesh=mesh,
        scratch_types=[
            pltpu.VMEM((CH, DEG_W), jnp.float32),
            pltpu.VMEM((CH,), jnp.int32),
            pltpu.VMEM((ZR, DEG_W), jnp.float32),
            pltpu.VMEM_SHARED((N_PAD, DEG_W), jnp.float32),
        ],
    )
    aggr_kernel = pl.kernel(
        _aggr_body,
        out_type=jax.ShapeDtypeStruct((NC, N_PAD, D), jnp.float32),
        mesh=mesh,
        scratch_types=[
            pltpu.VMEM((CPB, CH), jnp.int32),
            pltpu.VMEM((CPB, CH), jnp.int32),
            pltpu.VMEM((CH, D), jnp.float32),
            pltpu.VMEM((CH, D), jnp.float32),
            pltpu.VMEM_SHARED((N_PAD, D), jnp.float32),
            pltpu.SemaphoreType.DMA,
            pltpu.SemaphoreType.DMA,
        ],
    )
    return deg_kernel, aggr_kernel



R = 512


def _ln(v, g, b):
    m = jnp.mean(v, axis=-1, keepdims=True)
    var = jnp.mean((v - m) * (v - m), axis=-1, keepdims=True)
    return (v - m) * lax.rsqrt(var + 1e-5) * g + b


def _dis_of(degs):
    deg = degs[0, :, 0] + degs[1, :, 0] + 1.0
    return lax.rsqrt(deg)[:, None]


def _dis_body(degs_ref, dis_ref):
    dis_ref[...] = _dis_of(degs_ref[...]) * jnp.ones((1, D), jnp.float32)


def _pre_body(x_ref, dis_ref, wpre_ref, bpre_ref, gpre_ref, bepre_ref,
              wf1_ref, bf1_ref, wf2_ref, bf2_ref, id_ref, h_ref, hs_ref):
    xb = x_ref[...]
    h0 = jnp.dot(xb, wpre_ref[...], preferred_element_type=jnp.float32)
    h0 = jnp.maximum(_ln(h0 + bpre_ref[...], gpre_ref[...], bepre_ref[...]), 0.0)
    idb = jnp.maximum(
        jnp.dot(h0, wf1_ref[...], preferred_element_type=jnp.float32)
        + bf1_ref[...], 0.0)
    hb = jnp.maximum(
        jnp.dot(h0, wf2_ref[...], preferred_element_type=jnp.float32)
        + bf2_ref[...], 0.0)
    dis = dis_ref[...]
    id_ref[...] = idb
    h_ref[...] = hb
    hs_ref[...] = dis * hb


def _layer_body(h_ref, hs_ref, id_ref, raw_ref, dis_ref,
                wz_ref, bz_ref, wr_ref, br_ref, wh_ref, bh_ref,
                wd_ref, bd_ref, g_ref, be_ref, ho_ref, hso_ref):
    h = h_ref[...]
    dis = dis_ref[...]
    raw = raw_ref[...]
    aggr = dis * (raw[0] + raw[1] + hs_ref[...])
    wz = wz_ref[...]
    wr = wr_ref[...]
    wh = wh_ref[...]
    wd = wd_ref[...]
    z = jax.nn.sigmoid(
        jnp.dot(h, wz[0], preferred_element_type=jnp.float32)
        + jnp.dot(aggr, wz[1], preferred_element_type=jnp.float32)
        + bz_ref[...])
    r = jax.nn.sigmoid(
        jnp.dot(h, wr[0], preferred_element_type=jnp.float32)
        + jnp.dot(aggr, wr[1], preferred_element_type=jnp.float32)
        + br_ref[...])
    hc = jnp.maximum(
        jnp.dot(r * h, wh[0], preferred_element_type=jnp.float32)
        + jnp.dot(aggr, wh[1], preferred_element_type=jnp.float32)
        + bh_ref[...], 0.0)
    hn = (1.0 - z) * h + z * hc
    hd = jnp.maximum(
        jnp.dot(hn, wd[0], preferred_element_type=jnp.float32)
        + jnp.dot(id_ref[...], wd[1], preferred_element_type=jnp.float32)
        + bd_ref[...], 0.0)
    ho = _ln(hd, g_ref[...], be_ref[...])
    ho_ref[...] = ho
    hso_ref[...] = dis * ho


def _final_body(h_ref, id_ref, wff1_ref, bff1_ref, g_ref, be_ref,
                wff2_ref, bff2_ref, o_ref):
    w1 = wff1_ref[...]
    o = jnp.maximum(
        jnp.dot(h_ref[...], w1[0], preferred_element_type=jnp.float32)
        + jnp.dot(id_ref[...], w1[1], preferred_element_type=jnp.float32)
        + bff1_ref[...], 0.0)
    o = _ln(o, g_ref[...], be_ref[...])
    o_ref[...] = (jnp.dot(o, wff2_ref[...], preferred_element_type=jnp.float32)
                  + bff2_ref[...])


def _nd_spec():
    return pl.BlockSpec((R, D), lambda i: (i, 0))


def _full_spec(shape):
    nd = len(shape)
    return pl.BlockSpec(shape, lambda i, _n=nd: (0,) * _n)


_GRID = (N_PAD // R,)

RD = 256

_dis_call = pl.pallas_call(
    _dis_body,
    grid=(N_PAD // RD,),
    in_specs=[pl.BlockSpec((2, RD, DEG_W), lambda i: (0, i, 0))],
    out_specs=pl.BlockSpec((RD, D), lambda i: (i, 0)),
    out_shape=jax.ShapeDtypeStruct((N_PAD, D), jnp.float32),
)

_pre_call = pl.pallas_call(
    _pre_body,
    grid=_GRID,
    in_specs=[
        _nd_spec(),
        _nd_spec(),
        _full_spec((D, D)), _full_spec((1, D)), _full_spec((1, D)),
        _full_spec((1, D)),
        _full_spec((D, D)), _full_spec((1, D)),
        _full_spec((D, D)), _full_spec((1, D)),
    ],
    out_specs=[_nd_spec(), _nd_spec(), _nd_spec()],
    out_shape=[jax.ShapeDtypeStruct((N_PAD, D), jnp.float32)] * 3,
)

_layer_call = pl.pallas_call(
    _layer_body,
    grid=_GRID,
    in_specs=[
        _nd_spec(), _nd_spec(), _nd_spec(),
        pl.BlockSpec((2, R, D), lambda i: (0, i, 0)),
        _nd_spec(),
        _full_spec((2, D, D)), _full_spec((1, D)),
        _full_spec((2, D, D)), _full_spec((1, D)),
        _full_spec((2, D, D)), _full_spec((1, D)),
        _full_spec((2, D, D)), _full_spec((1, D)),
        _full_spec((1, D)), _full_spec((1, D)),
    ],
    out_specs=[_nd_spec(), _nd_spec()],
    out_shape=[jax.ShapeDtypeStruct((N_PAD, D), jnp.float32)] * 2,
)

_final_call = pl.pallas_call(
    _final_body,
    grid=_GRID,
    in_specs=[
        _nd_spec(), _nd_spec(),
        _full_spec((2, D, D)), _full_spec((1, D)),
        _full_spec((1, D)), _full_spec((1, D)),
        _full_spec((D, D)), _full_spec((1, D)),
    ],
    out_specs=_nd_spec(),
    out_shape=jax.ShapeDtypeStruct((N_PAD, D), jnp.float32),
)


def kernel(x, edge_index, W_pre, b_pre, g_pre, be_pre, W_f1, b_f1, W_f2, b_f2,
           Wz, bz, Wr, br, Wh, bh, Wd, bd, g_ggnn, be_ggnn,
           W_ff1, b_ff1, g_ff1, be_ff1, W_ff2, b_ff2):
    f32 = jnp.float32
    row = edge_index[0].astype(jnp.int32)
    col = edge_index[1].astype(jnp.int32)
    npad = E_PAD - E
    pad_rows = jnp.arange(npad, dtype=jnp.int32) % N
    row_p = jnp.concatenate([row, pad_rows])
    pad_cols = N + jnp.arange(npad, dtype=jnp.int32) % (N_PAD - N)
    col_p = jnp.concatenate([col, pad_cols])
    x_p = jnp.concatenate([x.astype(f32), jnp.zeros((N_PAD - N, D), f32)])

    def v2(a):
        return a.astype(f32).reshape(1, D)

    deg_kernel, aggr_kernel = _sc_kernels()
    degs = deg_kernel(col_p)
    dis = _dis_call(degs)

    identity, h, hs = _pre_call(
        x_p, dis, W_pre.astype(f32), v2(b_pre), v2(g_pre), v2(be_pre),
        W_f1.astype(f32), v2(b_f1), W_f2.astype(f32), v2(b_f2))

    L = Wz.shape[0]
    Wz_s = Wz.astype(f32).reshape(L, 2, D, D)
    Wr_s = Wr.astype(f32).reshape(L, 2, D, D)
    Wh_s = Wh.astype(f32).reshape(L, 2, D, D)
    Wd_s = Wd.astype(f32).reshape(L, 2, D, D)
    bz_s = bz.astype(f32).reshape(L, 1, D)
    br_s = br.astype(f32).reshape(L, 1, D)
    bh_s = bh.astype(f32).reshape(L, 1, D)
    bd_s = bd.astype(f32).reshape(L, 1, D)

    row2 = row_p.reshape(E_PAD // CH, CH)
    col2 = col_p.reshape(E_PAD // CH, CH)

    def layer_step(i, carry):
        h, hs = carry
        raw = aggr_kernel(hs, row2, col2)
        idx = lambda a: lax.dynamic_index_in_dim(a, i, 0, keepdims=False)
        return _layer_call(
            h, hs, identity, raw, dis,
            idx(Wz_s), idx(bz_s), idx(Wr_s), idx(br_s),
            idx(Wh_s), idx(bh_s), idx(Wd_s), idx(bd_s),
            v2(g_ggnn), v2(be_ggnn))

    h, hs = lax.fori_loop(0, L, layer_step, (h, hs))

    wff2 = jnp.zeros((D, D), f32).at[:, :2].set(W_ff2.astype(f32))
    bff2 = jnp.zeros((1, D), f32).at[0, :2].set(b_ff2.astype(f32))
    out = _final_call(
        h, identity, W_ff1.astype(f32).reshape(2, D, D), v2(b_ff1),
        v2(g_ff1), v2(be_ff1), wff2, bff2)
    return out[:N, :2]

# --- scband reference (transcript-rebuilt; emitter-appended) ---
"""Pipeline reference for scband-ggnnmodel-29472065585398 (READ-ONLY COPY).

The authoritative reference and input builder live on the scoring server;
editing this copy changes nothing except your own understanding.
"""

import jax, jax.numpy as jnp
import numpy as np

N_NODES = 10000
N_EDGES = 320000
D = 128
L = 3

def _layernorm(x, g, b):
    m = jnp.mean(x, axis=-1, keepdims=True)
    v = jnp.var(x, axis=-1, keepdims=True)
    return (x - m) / jnp.sqrt(v + 1e-5) * g + b

def setup_inputs(seed: int = 0):
    key = jax.random.key(seed)
    ks = jax.random.split(key, 16)
    s = 0.05
    def w(k, shape):
        return jax.random.normal(k, shape, dtype=jnp.float32) * s
    inp = {}
    inp["x"] = jax.random.normal(ks[0], (N_NODES, D), dtype=jnp.float32)
    inp["edge_index"] = jax.random.randint(ks[1], (2, N_EDGES), 0, N_NODES)
    inp["W_pre"] = w(ks[2], (D, D)); inp["b_pre"] = jnp.zeros((D,), jnp.float32)
    inp["g_pre"] = jnp.ones((D,), jnp.float32); inp["be_pre"] = jnp.zeros((D,), jnp.float32)
    inp["W_f1"] = w(ks[3], (D, D)); inp["b_f1"] = jnp.zeros((D,), jnp.float32)
    inp["W_f2"] = w(ks[4], (D, D)); inp["b_f2"] = jnp.zeros((D,), jnp.float32)
    inp["Wz"] = w(ks[5], (L, 2 * D, D)); inp["bz"] = jnp.zeros((L, D), jnp.float32)
    inp["Wr"] = w(ks[6], (L, 2 * D, D)); inp["br"] = jnp.zeros((L, D), jnp.float32)
    inp["Wh"] = w(ks[7], (L, 2 * D, D)); inp["bh"] = jnp.zeros((L, D), jnp.float32)
    inp["Wd"] = w(ks[8], (L, 2 * D, D)); inp["bd"] = jnp.zeros((L, D), jnp.float32)
    inp["g_ggnn"] = jnp.ones((D,), jnp.float32); inp["be_ggnn"] = jnp.zeros((D,), jnp.float32)
    inp["W_ff1"] = w(ks[9], (2 * D, D)); inp["b_ff1"] = jnp.zeros((D,), jnp.float32)
    inp["g_ff1"] = jnp.ones((D,), jnp.float32); inp["be_ff1"] = jnp.zeros((D,), jnp.float32)
    inp["W_ff2"] = w(ks[10], (D, 2)); inp["b_ff2"] = jnp.zeros((2,), jnp.float32)
    return inp

def _forward(x, edge_index, W_pre, b_pre, g_pre, be_pre, W_f1, b_f1, W_f2, b_f2,
             Wz, bz, Wr, br, Wh, bh, Wd, bd, g_ggnn, be_ggnn,
             W_ff1, b_ff1, g_ff1, be_ff1, W_ff2, b_ff2):
    n = x.shape[0]
    loops = jnp.arange(n, dtype=edge_index.dtype)
    row = jnp.concatenate([edge_index[0], loops])
    col = jnp.concatenate([edge_index[1], loops])
    deg = jax.ops.segment_sum(jnp.ones_like(row, dtype=x.dtype), col, num_segments=n)
    dis = jnp.where(deg > 0, deg ** -0.5, 0.0)
    norm = dis[row] * dis[col]
    h0 = jax.nn.relu(_layernorm(x @ W_pre + b_pre, g_pre, be_pre))
    node_identity = jax.nn.relu(h0 @ W_f1 + b_f1)
    h = jax.nn.relu(h0 @ W_f2 + b_f2)
    for i in range(L):
        # GGNNConv (use_edge_gate=False, use_gru_update=True)
        msg = norm[:, None] * h[row]
        aggr = jax.ops.segment_sum(msg, col, num_segments=n)
        zi = jnp.concatenate([h, aggr], axis=-1)
        z = jax.nn.sigmoid(zi @ Wz[i] + bz[i])
        r = jax.nn.sigmoid(zi @ Wr[i] + br[i])
        hc = jax.nn.relu(jnp.concatenate([r * h, aggr], axis=-1) @ Wh[i] + bh[i])
        h_new = (1.0 - z) * h + z * hc
        # skip connection with initial node embeddings + dense combine
        h = jax.nn.relu(jnp.concatenate([h_new, node_identity], axis=-1) @ Wd[i] + bd[i])
        h = _layernorm(h, g_ggnn, be_ggnn)
    out = jnp.concatenate([h, node_identity], axis=-1)
    out = jax.nn.relu(out @ W_ff1 + b_ff1)
    out = _layernorm(out, g_ff1, be_ff1)
    return out @ W_ff2 + b_ff2

def reference(x, edge_index, W_pre, b_pre, g_pre, be_pre, W_f1, b_f1, W_f2, b_f2,
              Wz, bz, Wr, br, Wh, bh, Wd, bd, g_ggnn, be_ggnn,
              W_ff1, b_ff1, g_ff1, be_ff1, W_ff2, b_ff2):
    return _forward(x, edge_index, W_pre, b_pre, g_pre, be_pre, W_f1, b_f1, W_f2, b_f2,
                    Wz, bz, Wr, br, Wh, bh, Wd, bd, g_ggnn, be_ggnn,
                    W_ff1, b_ff1, g_ff1, be_ff1, W_ff2, b_ff2)

if __name__ == "__main__":
    import jax
    _d = setup_inputs()
    print(jax.jit(kernel)(*tuple(_d.values())))

</pallas_src>

<mosaic_0001>
#map = affine_map<(d0, d1) -> (0, 0)>
#map1 = affine_map<(d0, d1) -> (0, 0, 0)>
module attributes {stable_mosaic.version = 14 : i64} {
  func.func @_aggr_body(%arg0: i32, %arg1: i32, %arg2: memref<10240x128xf32, #tpu.memory_space<hbm>>, %arg3: memref<2560x128xi32, #tpu.memory_space<hbm>>, %arg4: memref<2560x128xi32, #tpu.memory_space<hbm>>, %arg5: memref<2x10240x128xf32, #tpu.memory_space<hbm>>, %arg6: memref<8x128xi32, #tpu.memory_space<vmem>>, %arg7: memref<8x128xi32, #tpu.memory_space<vmem>>, %arg8: memref<128x128xf32, #tpu.memory_space<vmem>>, %arg9: memref<128x128xf32, #tpu.memory_space<vmem>>, %arg10: memref<10240x128xf32, #tpu.memory_space<vmem_shared>>, %arg11: memref<!tpu.dma_semaphore, #tpu.memory_space<semaphore_mem>>, %arg12: memref<!tpu.dma_semaphore, #tpu.memory_space<semaphore_mem>>) attributes {dimension_semantics = [#tpu.dimension_semantics<core_parallel>, #tpu.dimension_semantics<subcore_parallel>], iteration_bounds = array<i64: 2, 16>, scalar_prefetch = 0 : i64, scratch_operands = 7 : i64, tpu.core_type = #tpu.core_type<sc_vector_subcore>, window_params = [{transform_indices = #map}, {transform_indices = #map}, {transform_indices = #map}, {transform_indices = #map1}]} {
    %mul3A = arith.constant 16 : i32
    %mul3A_0 = arith.muli %arg0, %mul3A : i32
    %add3A = arith.addi %mul3A_0, %arg1 : i32
    %scan3A = arith.constant 0 : i32
    %scan3A_1 = arith.constant 0 : i32
    %scan3A_2 = arith.constant 1024 : i32
    %scan3A_3 = arith.addi %scan3A_1, %scan3A_2 : i32
    %scan3A_4 = arith.constant 1 : i32
    scf.for %scan3A_62 = %scan3A_1 to %scan3A_3 step %scan3A_4  : i32 {
      %broadcast_in_dim3A = arith.constant 0.000000e+00 : f32
      %broadcast_in_dim3A_63 = vector.broadcast %broadcast_in_dim3A : f32 to vector<16xf32>
      %jit3A_64 = arith.constant 8 : i32
      %div3A_65 = arith.divsi %scan3A_62, %jit3A_64 : i32
      %sign3A_66 = arith.constant 0 : i32
      %sign3A_67 = arith.cmpi sgt, %scan3A_62, %sign3A_66 : i32
      %sign3A_68 = arith.extui %sign3A_67 : i1 to i32
      %sign3A_69 = arith.constant 0 : i32
      %sign3A_70 = arith.cmpi slt, %scan3A_62, %sign3A_69 : i32
      %sign3A_71 = arith.extui %sign3A_70 : i1 to i32
      %sign3A_72 = arith.subi %sign3A_68, %sign3A_71 : i32
      %sign3A_73 = arith.constant 0 : i32
      %sign3A_74 = arith.cmpi sgt, %jit3A_64, %sign3A_73 : i32
      %sign3A_75 = arith.extui %sign3A_74 : i1 to i32
      %sign3A_76 = arith.constant 0 : i32
      %sign3A_77 = arith.cmpi slt, %jit3A_64, %sign3A_76 : i32
      %sign3A_78 = arith.extui %sign3A_77 : i1 to i32
      %sign3A_79 = arith.subi %sign3A_75, %sign3A_78 : i32
      %ne3A_80 = arith.cmpi ne, %sign3A_72, %sign3A_79 : i32
      %rem3A_81 = arith.remsi %scan3A_62, %jit3A_64 : i32
      %ne3A_82 = arith.constant 0 : i32
      %ne3A_83 = arith.cmpi ne, %rem3A_81, %ne3A_82 : i32
      %and3A_84 = arith.andi %ne3A_80, %ne3A_83 : i1
      %sub3A_85 = arith.constant 1 : i32
      %sub3A_86 = arith.subi %div3A_65, %sub3A_85 : i32
      %select_n3A_87 = arith.select %and3A_84, %sub3A_86, %div3A_65 : i32
      %jit3A_88 = arith.constant 8 : i32
      %eq3A = arith.constant 0 : i32
      %eq3A_89 = arith.cmpi eq, %jit3A_88, %eq3A : i32
      %jit3A_90 = arith.constant 1 : i32
      %select_n3A_91 = arith.select %eq3A_89, %jit3A_90, %jit3A_88 : i32
      %rem3A_92 = arith.remsi %scan3A_62, %select_n3A_91 : i32
      %ne3A_93 = arith.constant 0 : i32
      %ne3A_94 = arith.cmpi ne, %rem3A_92, %ne3A_93 : i32
      %lt3A = arith.constant 0 : i32
      %lt3A_95 = arith.cmpi slt, %rem3A_92, %lt3A : i32
      %lt3A_96 = arith.constant 0 : i32
      %lt3A_97 = arith.cmpi slt, %select_n3A_91, %lt3A_96 : i32
      %ne3A_98 = arith.xori %lt3A_95, %lt3A_97 : i1
      %and3A_99 = arith.andi %ne3A_98, %ne3A_94 : i1
      %add3A_100 = arith.addi %rem3A_92, %select_n3A_91 : i32
      %select_n3A_101 = arith.select %and3A_99, %add3A_100, %rem3A_92 : i32
      %mul3A_102 = arith.constant 16 : i32
      %mul3A_103 = arith.muli %select_n3A_101, %mul3A_102 : i32
      %swap3A = arith.index_cast %select_n3A_87 : i32 to index
      %swap3A_104 = arith.index_cast %mul3A_103 : i32 to index
      %swap3A_105 = tpu.vector_load %arg8[%swap3A, %swap3A_104] {strides = array<i32>} : memref<128x128xf32, #tpu.memory_space<vmem>>, vector<1x16xf32>,
      %swap3A_106 = vector.shape_cast %swap3A_105 : vector<1x16xf32> to vector<16xf32>
      %swap3A_107 = vector.shape_cast %broadcast_in_dim3A_63 : vector<16xf32> to vector<1x16xf32>
      tpu.vector_store %arg8[%swap3A, %swap3A_104], %swap3A_107 {strides = array<i32>} : memref<128x128xf32, #tpu.memory_space<vmem>>, vector<1x16xf32>,
    }
    %scan3A_5 = arith.constant 1024 : i32
    %scan3A_6 = arith.constant 0 : i32
    %scan3A_7 = arith.constant 0 : i32
    %scan3A_8 = arith.constant 5 : i32
    %scan3A_9 = arith.addi %scan3A_7, %scan3A_8 : i32
    %scan3A_10 = arith.constant 1 : i32
    scf.for %scan3A_62 = %scan3A_7 to %scan3A_9 step %scan3A_10  : i32 {
      %mul3A_63 = arith.constant 640 : i32
      %mul3A_64 = arith.muli %arg1, %mul3A_63 : i32
      %mul3A_65 = arith.constant 128 : i32
      %mul3A_66 = arith.muli %scan3A_62, %mul3A_65 : i32
      %add3A_67 = arith.addi %mul3A_64, %mul3A_66 : i32
      "tpu.region"() ({
        %run_scoped3A = tpu.sem_alloc : memref<!tpu.dma_semaphore, #tpu.memory_space<semaphore_mem>>
        %dma_start3A = arith.constant 0 : i32
        %dma_start3A_68 = tpu.memref_slice %arg10[%add3A_67, %dma_start3A] : memref<10240x128xf32, #tpu.memory_space<vmem_shared>> -> memref<128x128xf32, #tpu.memory_space<vmem_shared>>
        %dma_start3A_69 = arith.constant 0 : i32
        %dma_start3A_70 = tpu.memref_slice %arg10[%add3A_67, %dma_start3A_69] : memref<10240x128xf32, #tpu.memory_space<vmem_shared>> -> memref<128x128xf32, #tpu.memory_space<vmem_shared>>
        tpu.enqueue_dma source(%arg8 : memref<128x128xf32, #tpu.memory_space<vmem>>) target(%dma_start3A_70 : memref<128x128xf32, #tpu.memory_space<vmem_shared>>) target_semaphore(%run_scoped3A : memref<!tpu.dma_semaphore, #tpu.memory_space<semaphore_mem>>)
        %dma_wait3A = arith.constant 0 : i32
        %dma_wait3A_71 = tpu.memref_slice %arg10[%add3A_67, %dma_wait3A] : memref<10240x128xf32, #tpu.memory_space<vmem_shared>> -> memref<128x128xf32, #tpu.memory_space<vmem_shared>>
        %dma_wait3A_72 = arith.constant 0 : i32
        %dma_wait3A_73 = tpu.memref_slice %arg10[%add3A_67, %dma_wait3A_72] : memref<10240x128xf32, #tpu.memory_space<vmem_shared>> -> memref<128x128xf32, #tpu.memory_space<vmem_shared>>
        tpu.wait_dma2 semaphore(%run_scoped3A : memref<!tpu.dma_semaphore, #tpu.memory_space<semaphore_mem>>) src(%arg8 : memref<128x128xf32, #tpu.memory_space<vmem>>) dst(%dma_wait3A_73 : memref<128x128xf32, #tpu.memory_space<vmem_shared>>)
        tpu.yield
      }) : () -> ()
    }
    %scan3A_11 = arith.constant 5 : i32
    %barrier3A = arith.constant 0 : index
    tpu.barrier barrier_id(%barrier3A)
    %sub3A = arith.constant 1 : i32
    %sub3A_12 = arith.subi %sub3A, %arg0 : i32
    %mul3A_13 = arith.constant 80 : i32
    %mul3A_14 = arith.muli %arg1, %mul3A_13 : i32
    %mul3A_15 = arith.muli %sub3A_12, %mul3A_14 : i32
    %mul3A_16 = arith.constant 80 : i32
    %mul3A_17 = arith.muli %arg1, %mul3A_16 : i32
    %add3A_18 = arith.constant 1280 : i32
    %add3A_19 = arith.addi %add3A_18, %mul3A_17 : i32
    %mul3A_20 = arith.muli %arg0, %add3A_19 : i32
    %add3A_21 = arith.addi %mul3A_15, %mul3A_20 : i32
    %sub3A_22 = arith.constant 1 : i32
    %sub3A_23 = arith.subi %sub3A_22, %arg0 : i32
    %mul3A_24 = arith.constant 80 : i32
    %mul3A_25 = arith.muli %sub3A_23, %mul3A_24 : i32
    %mul3A_26 = arith.constant 80 : i32
    %mul3A_27 = arith.muli %arg0, %mul3A_26 : i32
    %add3A_28 = arith.addi %mul3A_25, %mul3A_27 : i32
    %jit3A = arith.constant 8 : i32
    %div3A = arith.divsi %add3A_28, %jit3A : i32
    %sign3A = arith.constant 0 : i32
    %sign3A_29 = arith.cmpi sgt, %add3A_28, %sign3A : i32
    %sign3A_30 = arith.extui %sign3A_29 : i1 to i32
    %sign3A_31 = arith.constant 0 : i32
    %sign3A_32 = arith.cmpi slt, %add3A_28, %sign3A_31 : i32
    %sign3A_33 = arith.extui %sign3A_32 : i1 to i32
    %sign3A_34 = arith.subi %sign3A_30, %sign3A_33 : i32
    %sign3A_35 = arith.constant 0 : i32
    %sign3A_36 = arith.cmpi sgt, %jit3A, %sign3A_35 : i32
    %sign3A_37 = arith.extui %sign3A_36 : i1 to i32
    %sign3A_38 = arith.constant 0 : i32
    %sign3A_39 = arith.cmpi slt, %jit3A, %sign3A_38 : i32
    %sign3A_40 = arith.extui %sign3A_39 : i1 to i32
    %sign3A_41 = arith.subi %sign3A_37, %sign3A_40 : i32
    %ne3A = arith.cmpi ne, %sign3A_34, %sign3A_41 : i32
    %rem3A = arith.remsi %add3A_28, %jit3A : i32
    %ne3A_42 = arith.constant 0 : i32
    %ne3A_43 = arith.cmpi ne, %rem3A, %ne3A_42 : i32
    %and3A = arith.andi %ne3A, %ne3A_43 : i1
    %sub3A_44 = arith.constant 1 : i32
    %sub3A_45 = arith.subi %div3A, %sub3A_44 : i32
    %select_n3A = arith.select %and3A, %sub3A_45, %div3A : i32
    %while3A = arith.constant 0 : i32
    %while3A_46 = arith.constant 0 : i32
    %while3A_47 = arith.subi %select_n3A, %while3A_46 : i32
    %while3A_48 = arith.addi %while3A_46, %while3A_47 : i32
    %while3A_49 = arith.constant 1 : i32
    %while3A_50 = arith.divsi %while3A_47, %while3A_49 : i32
    %while3A_51 = arith.muli %while3A_50, %while3A_49 : i32
    %while3A_52 = arith.addi %while3A_46, %while3A_51 : i32
    %while3A_53 = arith.constant 1 : i32
    scf.for %while3A_62 = %while3A_46 to %while3A_52 step %while3A_53  : i32 {
      %mul3A_63 = arith.constant 8 : i32
      %mul3A_64 = arith.muli %while3A_62, %mul3A_63 : i32
      %add3A_65 = arith.addi %add3A_21, %mul3A_64 : i32
      "tpu.region"() ({
        %run_scoped3A_97 = tpu.sem_alloc : memref<!tpu.dma_semaphore, #tpu.memory_space<semaphore_mem>>
        %dma_start3A_98 = arith.constant 0 : i32
        %dma_start3A_99 = tpu.memref_slice %arg3[%add3A_65, %dma_start3A_98] : memref<2560x128xi32, #tpu.memory_space<hbm>> -> memref<8x128xi32, #tpu.memory_space<hbm>>
        %dma_start3A_100 = arith.constant 0 : i32
        %dma_start3A_101 = tpu.memref_slice %arg3[%add3A_65, %dma_start3A_100] : memref<2560x128xi32, #tpu.memory_space<hbm>> -> memref<8x128xi32, #tpu.memory_space<hbm>>
        tpu.enqueue_dma source(%dma_start3A_101 : memref<8x128xi32, #tpu.memory_space<hbm>>) target(%arg6 : memref<8x128xi32, #tpu.memory_space<vmem>>) target_semaphore(%run_scoped3A_97 : memref<!tpu.dma_semaphore, #tpu.memory_space<semaphore_mem>>)
        %dma_wait3A_102 = arith.constant 0 : i32
        %dma_wait3A_103 = tpu.memref_slice %arg3[%add3A_65, %dma_wait3A_102] : memref<2560x128xi32, #tpu.memory_space<hbm>> -> memref<8x128xi32, #tpu.memory_space<hbm>>
        %dma_wait3A_104 = arith.constant 0 : i32
        %dma_wait3A_105 = tpu.memref_slice %arg3[%add3A_65, %dma_wait3A_104] : memref<2560x128xi32, #tpu.memory_space<hbm>> -> memref<8x128xi32, #tpu.memory_space<hbm>>
        tpu.wait_dma2 semaphore(%run_scoped3A_97 : memref<!tpu.dma_semaphore, #tpu.memory_space<semaphore_mem>>) src(%dma_wait3A_105 : memref<8x128xi32, #tpu.memory_space<hbm>>) dst(%arg6 : memref<8x128xi32, #tpu.memory_space<vmem>>)
        tpu.yield
      }) : () -> ()
      "tpu.region"() ({
        %run_scoped3A_97 = tpu.sem_alloc : memref<!tpu.dma_semaphore, #tpu.memory_space<semaphore_mem>>
        %dma_start3A_98 = arith.constant 0 : i32
        %dma_start3A_99 = tpu.memref_slice %arg4[%add3A_65, %dma_start3A_98] : memref<2560x128xi32, #tpu.memory_space<hbm>> -> memref<8x128xi32, #tpu.memory_space<hbm>>
        %dma_start3A_100 = arith.constant 0 : i32
        %dma_start3A_101 = tpu.memref_slice %arg4[%add3A_65, %dma_start3A_100] : memref<2560x128xi32, #tpu.memory_space<hbm>> -> memref<8x128xi32, #tpu.memory_space<hbm>>
        tpu.enqueue_dma source(%dma_start3A_101 : memref<8x128xi32, #tpu.memory_space<hbm>>) target(%arg7 : memref<8x128xi32, #tpu.memory_space<vmem>>) target_semaphore(%run_scoped3A_97 : memref<!tpu.dma_semaphore, #tpu.memory_space<semaphore_mem>>)
        %dma_wait3A_102 = arith.constant 0 : i32
        %dma_wait3A_103 = tpu.memref_slice %arg4[%add3A_65, %dma_wait3A_102] : memref<2560x128xi32, #tpu.memory_space<hbm>> -> memref<8x128xi32, #tpu.memory_space<hbm>>
        %dma_wait3A_104 = arith.constant 0 : i32
        %dma_wait3A_105 = tpu.memref_slice %arg4[%add3A_65, %dma_wait3A_104] : memref<2560x128xi32, #tpu.memory_space<hbm>> -> memref<8x128xi32, #tpu.memory_space<hbm>>
        tpu.wait_dma2 semaphore(%run_scoped3A_97 : memref<!tpu.dma_semaphore, #tpu.memory_space<semaphore_mem>>) src(%dma_wait3A_105 : memref<8x128xi32, #tpu.memory_space<hbm>>) dst(%arg7 : memref<8x128xi32, #tpu.memory_space<vmem>>)
        tpu.yield
      }) : () -> ()
      %dma_start3A = arith.constant 0 : i32
      %dma_start3A_66 = arith.constant 0 : i32
      %dma_start3A_67 = tpu.memref_slice %arg6[%dma_start3A, %dma_start3A_66] : memref<8x128xi32, #tpu.memory_space<vmem>> -> memref<1x128xi32, #tpu.memory_space<vmem>>
      %dma_start3A_68 = tpu.memref_squeeze %dma_start3A_67 : memref<1x128xi32, #tpu.memory_space<vmem>> -> memref<128xi32, #tpu.memory_space<vmem>>
      %dma_start3A_69 = arith.constant 0 : i32
      %dma_start3A_70 = arith.constant 0 : i32
      %dma_start3A_71 = tpu.memref_slice %arg2[%dma_start3A_69, %dma_start3A_70] : memref<10240x128xf32, #tpu.memory_space<hbm>> -> memref<10240x128xf32, #tpu.memory_space<hbm>>
      tpu.enqueue_indirect_dma source(%dma_start3A_71 : memref<10240x128xf32, #tpu.memory_space<hbm>>) target(%arg8 : memref<128x128xf32, #tpu.memory_space<vmem>>) offsets(%dma_start3A_68 : memref<128xi32, #tpu.memory_space<vmem>>) semaphore(%arg11 : memref<!tpu.dma_semaphore, #tpu.memory_space<semaphore_mem>>)
      %scan3A_72 = arith.constant 0 : i32
      %scan3A_73 = arith.constant 0 : i32
      %scan3A_74 = arith.constant 3 : i32
      %scan3A_75 = arith.addi %scan3A_73, %scan3A_74 : i32
      %scan3A_76 = arith.constant 1 : i32
      scf.for %scan3A_97 = %scan3A_73 to %scan3A_75 step %scan3A_76  : i32 {
        %mul3A_98 = arith.constant 2 : i32
        %mul3A_99 = arith.muli %mul3A_98, %scan3A_97 : i32
        %add3A_100 = arith.constant 1 : i32
        %add3A_101 = arith.addi %mul3A_99, %add3A_100 : i32
        %dma_start3A_102 = arith.constant 0 : i32
        %dma_start3A_103 = tpu.memref_slice %arg6[%add3A_101, %dma_start3A_102] : memref<8x128xi32, #tpu.memory_space<vmem>> -> memref<1x128xi32, #tpu.memory_space<vmem>>
        %dma_start3A_104 = tpu.memref_squeeze %dma_start3A_103 : memref<1x128xi32, #tpu.memory_space<vmem>> -> memref<128xi32, #tpu.memory_space<vmem>>
        %dma_start3A_105 = arith.constant 0 : i32
        %dma_start3A_106 = arith.constant 0 : i32
        %dma_start3A_107 = tpu.memref_slice %arg2[%dma_start3A_105, %dma_start3A_106] : memref<10240x128xf32, #tpu.memory_space<hbm>> -> memref<10240x128xf32, #tpu.memory_space<hbm>>
        tpu.enqueue_indirect_dma source(%dma_start3A_107 : memref<10240x128xf32, #tpu.memory_space<hbm>>) target(%arg9 : memref<128x128xf32, #tpu.memory_space<vmem>>) offsets(%dma_start3A_104 : memref<128xi32, #tpu.memory_space<vmem>>) semaphore(%arg12 : memref<!tpu.dma_semaphore, #tpu.memory_space<semaphore_mem>>)
        %dma_wait3A_108 = arith.constant 0 : i32
        %dma_wait3A_109 = arith.constant 0 : i32
        %dma_wait3A_110 = tpu.memref_slice %arg2[%dma_wait3A_108, %dma_wait3A_109] : memref<10240x128xf32, #tpu.memory_space<hbm>> -> memref<128x128xf32, #tpu.memory_space<hbm>>
        %dma_wait3A_111 = arith.constant 0 : i32
        %dma_wait3A_112 = arith.constant 0 : i32
        %dma_wait3A_113 = tpu.memref_slice %arg2[%dma_wait3A_111, %dma_wait3A_112] : memref<10240x128xf32, #tpu.memory_space<hbm>> -> memref<128x128xf32, #tpu.memory_space<hbm>>
        tpu.wait_dma2 semaphore(%arg11 : memref<!tpu.dma_semaphore, #tpu.memory_space<semaphore_mem>>) src(%dma_wait3A_113 : memref<128x128xf32, #tpu.memory_space<hbm>>) dst(%arg8 : memref<128x128xf32, #tpu.memory_space<vmem>>)
        %mul3A_114 = arith.constant 2 : i32
        %mul3A_115 = arith.muli %mul3A_114, %scan3A_97 : i32
        "tpu.region"() ({
          %run_scoped3A_136 = tpu.sem_alloc : memref<!tpu.dma_semaphore, #tpu.memory_space<semaphore_mem>>
          %dma_start3A_137 = arith.constant 0 : i32
          %dma_start3A_138 = tpu.memref_slice %arg7[%mul3A_115, %dma_start3A_137] : memref<8x128xi32, #tpu.memory_space<vmem>> -> memref<1x128xi32, #tpu.memory_space<vmem>>
          %dma_start3A_139 = tpu.memref_squeeze %dma_start3A_138 : memref<1x128xi32, #tpu.memory_space<vmem>> -> memref<128xi32, #tpu.memory_space<vmem>>
          %dma_start3A_140 = arith.constant 0 : i32
          %dma_start3A_141 = arith.constant 0 : i32
          %dma_start3A_142 = tpu.memref_slice %arg10[%dma_start3A_140, %dma_start3A_141] : memref<10240x128xf32, #tpu.memory_space<vmem_shared>> -> memref<10240x128xf32, #tpu.memory_space<vmem_shared>>
          tpu.enqueue_indirect_dma source(%arg8 : memref<128x128xf32, #tpu.memory_space<vmem>>) target(%dma_start3A_142 : memref<10240x128xf32, #tpu.memory_space<vmem_shared>>) offsets(%dma_start3A_139 : memref<128xi32, #tpu.memory_space<vmem>>) semaphore(%run_scoped3A_136 : memref<!tpu.dma_semaphore, #tpu.memory_space<semaphore_mem>>) {add = true}
          %dma_wait3A_143 = arith.constant 0 : i32
          %dma_wait3A_144 = tpu.memref_slice %arg7[%mul3A_115, %dma_wait3A_143] : memref<8x128xi32, #tpu.memory_space<vmem>> -> memref<1x128xi32, #tpu.memory_space<vmem>>
          %dma_wait3A_145 = tpu.memref_squeeze %dma_wait3A_144 : memref<1x128xi32, #tpu.memory_space<vmem>> -> memref<128xi32, #tpu.memory_space<vmem>>
          %dma_wait3A_146 = arith.constant 0 : i32
          %dma_wait3A_147 = arith.constant 0 : i32
          %dma_wait3A_148 = tpu.memref_slice %arg10[%dma_wait3A_146, %dma_wait3A_147] : memref<10240x128xf32, #tpu.memory_space<vmem_shared>> -> memref<10240x128xf32, #tpu.memory_space<vmem_shared>>
          tpu.wait_indirect_dma semaphore(%run_scoped3A_136 : memref<!tpu.dma_semaphore, #tpu.memory_space<semaphore_mem>>) src(%arg8 : memref<128x128xf32, #tpu.memory_space<vmem>>) dst(%dma_wait3A_148 : memref<10240x128xf32, #tpu.memory_space<vmem_shared>>)
          tpu.yield
        }) : () -> ()
        %mul3A_116 = arith.constant 2 : i32
        %mul3A_117 = arith.muli %mul3A_116, %scan3A_97 : i32
        %add3A_118 = arith.constant 2 : i32
        %add3A_119 = arith.addi %mul3A_117, %add3A_118 : i32
        %dma_start3A_120 = arith.constant 0 : i32
        %dma_start3A_121 = tpu.memref_slice %arg6[%add3A_119, %dma_start3A_120] : memref<8x128xi32, #tpu.memory_space<vmem>> -> memref<1x128xi32, #tpu.memory_space<vmem>>
        %dma_start3A_122 = tpu.memref_squeeze %dma_start3A_121 : memref<1x128xi32, #tpu.memory_space<vmem>> -> memref<128xi32, #tpu.memory_space<vmem>>
        %dma_start3A_123 = arith.constant 0 : i32
        %dma_start3A_124 = arith.constant 0 : i32
        %dma_start3A_125 = tpu.memref_slice %arg2[%dma_start3A_123, %dma_start3A_124] : memref<10240x128xf32, #tpu.memory_space<hbm>> -> memref<10240x128xf32, #tpu.memory_space<hbm>>
        tpu.enqueue_indirect_dma source(%dma_start3A_125 : memref<10240x128xf32, #tpu.memory_space<hbm>>) target(%arg8 : memref<128x128xf32, #tpu.memory_space<vmem>>) offsets(%dma_start3A_122 : memref<128xi32, #tpu.memory_space<vmem>>) semaphore(%arg11 : memref<!tpu.dma_semaphore, #tpu.memory_space<semaphore_mem>>)
        %dma_wait3A_126 = arith.constant 0 : i32
        %dma_wait3A_127 = arith.constant 0 : i32
        %dma_wait3A_128 = tpu.memref_slice %arg2[%dma_wait3A_126, %dma_wait3A_127] : memref<10240x128xf32, #tpu.memory_space<hbm>> -> memref<128x128xf32, #tpu.memory_space<hbm>>
        %dma_wait3A_129 = arith.constant 0 : i32
        %dma_wait3A_130 = arith.constant 0 : i32
        %dma_wait3A_131 = tpu.memref_slice %arg2[%dma_wait3A_129, %dma_wait3A_130] : memref<10240x128xf32, #tpu.memory_space<hbm>> -> memref<128x128xf32, #tpu.memory_space<hbm>>
        tpu.wait_dma2 semaphore(%arg12 : memref<!tpu.dma_semaphore, #tpu.memory_space<semaphore_mem>>) src(%dma_wait3A_131 : memref<128x128xf32, #tpu.memory_space<hbm>>) dst(%arg9 : memref<128x128xf32, #tpu.memory_space<vmem>>)
        %mul3A_132 = arith.constant 2 : i32
        %mul3A_133 = arith.muli %mul3A_132, %scan3A_97 : i32
        %add3A_134 = arith.constant 1 : i32
        %add3A_135 = arith.addi %mul3A_133, %add3A_134 : i32
        "tpu.region"() ({
          %run_scoped3A_136 = tpu.sem_alloc : memref<!tpu.dma_semaphore, #tpu.memory_space<semaphore_mem>>
          %dma_start3A_137 = arith.constant 0 : i32
          %dma_start3A_138 = tpu.memref_slice %arg7[%add3A_135, %dma_start3A_137] : memref<8x128xi32, #tpu.memory_space<vmem>> -> memref<1x128xi32, #tpu.memory_space<vmem>>
          %dma_start3A_139 = tpu.memref_squeeze %dma_start3A_138 : memref<1x128xi32, #tpu.memory_space<vmem>> -> memref<128xi32, #tpu.memory_space<vmem>>
          %dma_start3A_140 = arith.constant 0 : i32
          %dma_start3A_141 = arith.constant 0 : i32
          %dma_start3A_142 = tpu.memref_slice %arg10[%dma_start3A_140, %dma_start3A_141] : memref<10240x128xf32, #tpu.memory_space<vmem_shared>> -> memref<10240x128xf32, #tpu.memory_space<vmem_shared>>
          tpu.enqueue_indirect_dma source(%arg9 : memref<128x128xf32, #tpu.memory_space<vmem>>) target(%dma_start3A_142 : memref<10240x128xf32, #tpu.memory_space<vmem_shared>>) offsets(%dma_start3A_139 : memref<128xi32, #tpu.memory_space<vmem>>) semaphore(%run_scoped3A_136 : memref<!tpu.dma_semaphore, #tpu.memory_space<semaphore_mem>>) {add = true}
          %dma_wait3A_143 = arith.constant 0 : i32
          %dma_wait3A_144 = tpu.memref_slice %arg7[%add3A_135, %dma_wait3A_143] : memref<8x128xi32, #tpu.memory_space<vmem>> -> memref<1x128xi32, #tpu.memory_space<vmem>>
          %dma_wait3A_145 = tpu.memref_squeeze %dma_wait3A_144 : memref<1x128xi32, #tpu.memory_space<vmem>> -> memref<128xi32, #tpu.memory_space<vmem>>
          %dma_wait3A_146 = arith.constant 0 : i32
          %dma_wait3A_147 = arith.constant 0 : i32
          %dma_wait3A_148 = tpu.memref_slice %arg10[%dma_wait3A_146, %dma_wait3A_147] : memref<10240x128xf32, #tpu.memory_space<vmem_shared>> -> memref<10240x128xf32, #tpu.memory_space<vmem_shared>>
          tpu.wait_indirect_dma semaphore(%run_scoped3A_136 : memref<!tpu.dma_semaphore, #tpu.memory_space<semaphore_mem>>) src(%arg9 : memref<128x128xf32, #tpu.memory_space<vmem>>) dst(%dma_wait3A_148 : memref<10240x128xf32, #tpu.memory_space<vmem_shared>>)
          tpu.yield
        }) : () -> ()
      }
      %scan3A_77 = arith.constant 3 : i32
      %dma_start3A_78 = arith.constant 7 : i32
      %dma_start3A_79 = arith.constant 0 : i32
      %dma_start3A_80 = tpu.memref_slice %arg6[%dma_start3A_78, %dma_start3A_79] : memref<8x128xi32, #tpu.memory_space<vmem>> -> memref<1x128xi32, #tpu.memory_space<vmem>>
      %dma_start3A_81 = tpu.memref_squeeze %dma_start3A_80 : memref<1x128xi32, #tpu.memory_space<vmem>> -> memref<128xi32, #tpu.memory_space<vmem>>
      %dma_start3A_82 = arith.constant 0 : i32
      %dma_start3A_83 = arith.constant 0 : i32
      %dma_start3A_84 = tpu.memref_slice %arg2[%dma_start3A_82, %dma_start3A_83] : memref<10240x128xf32, #tpu.memory_space<hbm>> -> memref<10240x128xf32, #tpu.memory_space<hbm>>
      tpu.enqueue_indirect_dma source(%dma_start3A_84 : memref<10240x128xf32, #tpu.memory_space<hbm>>) target(%arg9 : memref<128x128xf32, #tpu.memory_space<vmem>>) offsets(%dma_start3A_81 : memref<128xi32, #tpu.memory_space<vmem>>) semaphore(%arg12 : memref<!tpu.dma_semaphore, #tpu.memory_space<semaphore_mem>>)
      %dma_wait3A = arith.constant 0 : i32
      %dma_wait3A_85 = arith.constant 0 : i32
      %dma_wait3A_86 = tpu.memref_slice %arg2[%dma_wait3A, %dma_wait3A_85] : memref<10240x128xf32, #tpu.memory_space<hbm>> -> memref<128x128xf32, #tpu.memory_space<hbm>>
      %dma_wait3A_87 = arith.constant 0 : i32
      %dma_wait3A_88 = arith.constant 0 : i32
      %dma_wait3A_89 = tpu.memref_slice %arg2[%dma_wait3A_87, %dma_wait3A_88] : memref<10240x128xf32, #tpu.memory_space<hbm>> -> memref<128x128xf32, #tpu.memory_space<hbm>>
      tpu.wait_dma2 semaphore(%arg11 : memref<!tpu.dma_semaphore, #tpu.memory_space<semaphore_mem>>) src(%dma_wait3A_89 : memref<128x128xf32, #tpu.memory_space<hbm>>) dst(%arg8 : memref<128x128xf32, #tpu.memory_space<vmem>>)
      %run_scoped3A = arith.constant 6 : i32
      "tpu.region"() ({
        %run_scoped3A_97 = tpu.sem_alloc : memref<!tpu.dma_semaphore, #tpu.memory_space<semaphore_mem>>
        %dma_start3A_98 = arith.constant 0 : i32
        %dma_start3A_99 = tpu.memref_slice %arg7[%run_scoped3A, %dma_start3A_98] : memref<8x128xi32, #tpu.memory_space<vmem>> -> memref<1x128xi32, #tpu.memory_space<vmem>>
        %dma_start3A_100 = tpu.memref_squeeze %dma_start3A_99 : memref<1x128xi32, #tpu.memory_space<vmem>> -> memref<128xi32, #tpu.memory_space<vmem>>
        %dma_start3A_101 = arith.constant 0 : i32
        %dma_start3A_102 = arith.constant 0 : i32
        %dma_start3A_103 = tpu.memref_slice %arg10[%dma_start3A_101, %dma_start3A_102] : memref<10240x128xf32, #tpu.memory_space<vmem_shared>> -> memref<10240x128xf32, #tpu.memory_space<vmem_shared>>
        tpu.enqueue_indirect_dma source(%arg8 : memref<128x128xf32, #tpu.memory_space<vmem>>) target(%dma_start3A_103 : memref<10240x128xf32, #tpu.memory_space<vmem_shared>>) offsets(%dma_start3A_100 : memref<128xi32, #tpu.memory_space<vmem>>) semaphore(%run_scoped3A_97 : memref<!tpu.dma_semaphore, #tpu.memory_space<semaphore_mem>>) {add = true}
        %dma_wait3A_104 = arith.constant 0 : i32
        %dma_wait3A_105 = tpu.memref_slice %arg7[%run_scoped3A, %dma_wait3A_104] : memref<8x128xi32, #tpu.memory_space<vmem>> -> memref<1x128xi32, #tpu.memory_space<vmem>>
        %dma_wait3A_106 = tpu.memref_squeeze %dma_wait3A_105 : memref<1x128xi32, #tpu.memory_space<vmem>> -> memref<128xi32, #tpu.memory_space<vmem>>
        %dma_wait3A_107 = arith.constant 0 : i32
        %dma_wait3A_108 = arith.constant 0 : i32
        %dma_wait3A_109 = tpu.memref_slice %arg10[%dma_wait3A_107, %dma_wait3A_108] : memref<10240x128xf32, #tpu.memory_space<vmem_shared>> -> memref<10240x128xf32, #tpu.memory_space<vmem_shared>>
        tpu.wait_indirect_dma semaphore(%run_scoped3A_97 : memref<!tpu.dma_semaphore, #tpu.memory_space<semaphore_mem>>) src(%arg8 : memref<128x128xf32, #tpu.memory_space<vmem>>) dst(%dma_wait3A_109 : memref<10240x128xf32, #tpu.memory_space<vmem_shared>>)
        tpu.yield
      }) : () -> ()
      %dma_wait3A_90 = arith.constant 0 : i32
      %dma_wait3A_91 = arith.constant 0 : i32
      %dma_wait3A_92 = tpu.memref_slice %arg2[%dma_wait3A_90, %dma_wait3A_91] : memref<10240x128xf32, #tpu.memory_space<hbm>> -> memref<128x128xf32, #tpu.memory_space<hbm>>
      %dma_wait3A_93 = arith.constant 0 : i32
      %dma_wait3A_94 = arith.constant 0 : i32
      %dma_wait3A_95 = tpu.memref_slice %arg2[%dma_wait3A_93, %dma_wait3A_94] : memref<10240x128xf32, #tpu.memory_space<hbm>> -> memref<128x128xf32, #tpu.memory_space<hbm>>
      tpu.wait_dma2 semaphore(%arg12 : memref<!tpu.dma_semaphore, #tpu.memory_space<semaphore_mem>>) src(%dma_wait3A_95 : memref<128x128xf32, #tpu.memory_space<hbm>>) dst(%arg9 : memref<128x128xf32, #tpu.memory_space<vmem>>)
      %run_scoped3A_96 = arith.constant 7 : i32
      "tpu.region"() ({
        %run_scoped3A_97 = tpu.sem_alloc : memref<!tpu.dma_semaphore, #tpu.memory_space<semaphore_mem>>
        %dma_start3A_98 = arith.constant 0 : i32
        %dma_start3A_99 = tpu.memref_slice %arg7[%run_scoped3A_96, %dma_start3A_98] : memref<8x128xi32, #tpu.memory_space<vmem>> -> memref<1x128xi32, #tpu.memory_space<vmem>>
        %dma_start3A_100 = tpu.memref_squeeze %dma_start3A_99 : memref<1x128xi32, #tpu.memory_space<vmem>> -> memref<128xi32, #tpu.memory_space<vmem>>
        %dma_start3A_101 = arith.constant 0 : i32
        %dma_start3A_102 = arith.constant 0 : i32
        %dma_start3A_103 = tpu.memref_slice %arg10[%dma_start3A_101, %dma_start3A_102] : memref<10240x128xf32, #tpu.memory_space<vmem_shared>> -> memref<10240x128xf32, #tpu.memory_space<vmem_shared>>
        tpu.enqueue_indirect_dma source(%arg9 : memref<128x128xf32, #tpu.memory_space<vmem>>) target(%dma_start3A_103 : memref<10240x128xf32, #tpu.memory_space<vmem_shared>>) offsets(%dma_start3A_100 : memref<128xi32, #tpu.memory_space<vmem>>) semaphore(%run_scoped3A_97 : memref<!tpu.dma_semaphore, #tpu.memory_space<semaphore_mem>>) {add = true}
        %dma_wait3A_104 = arith.constant 0 : i32
        %dma_wait3A_105 = tpu.memref_slice %arg7[%run_scoped3A_96, %dma_wait3A_104] : memref<8x128xi32, #tpu.memory_space<vmem>> -> memref<1x128xi32, #tpu.memory_space<vmem>>
        %dma_wait3A_106 = tpu.memref_squeeze %dma_wait3A_105 : memref<1x128xi32, #tpu.memory_space<vmem>> -> memref<128xi32, #tpu.memory_space<vmem>>
        %dma_wait3A_107 = arith.constant 0 : i32
        %dma_wait3A_108 = arith.constant 0 : i32
        %dma_wait3A_109 = tpu.memref_slice %arg10[%dma_wait3A_107, %dma_wait3A_108] : memref<10240x128xf32, #tpu.memory_space<vmem_shared>> -> memref<10240x128xf32, #tpu.memory_space<vmem_shared>>
        tpu.wait_indirect_dma semaphore(%run_scoped3A_97 : memref<!tpu.dma_semaphore, #tpu.memory_space<semaphore_mem>>) src(%arg9 : memref<128x128xf32, #tpu.memory_space<vmem>>) dst(%dma_wait3A_109 : memref<10240x128xf32, #tpu.memory_space<vmem_shared>>)
        tpu.yield
      }) : () -> ()
    }
    %while3A_54 = arith.constant 1 : i32
    scf.for %while3A_62 = %while3A_52 to %while3A_48 step %while3A_54  : i32 {
      %mul3A_63 = arith.constant 8 : i32
      %mul3A_64 = arith.muli %while3A_62, %mul3A_63 : i32
      %add3A_65 = arith.addi %add3A_21, %mul3A_64 : i32
      "tpu.region"() ({
        %run_scoped3A_97 = tpu.sem_alloc : memref<!tpu.dma_semaphore, #tpu.memory_space<semaphore_mem>>
        %dma_start3A_98 = arith.constant 0 : i32
        %dma_start3A_99 = tpu.memref_slice %arg3[%add3A_65, %dma_start3A_98] : memref<2560x128xi32, #tpu.memory_space<hbm>> -> memref<8x128xi32, #tpu.memory_space<hbm>>
        %dma_start3A_100 = arith.constant 0 : i32
        %dma_start3A_101 = tpu.memref_slice %arg3[%add3A_65, %dma_start3A_100] : memref<2560x128xi32, #tpu.memory_space<hbm>> -> memref<8x128xi32, #tpu.memory_space<hbm>>
        tpu.enqueue_dma source(%dma_start3A_101 : memref<8x128xi32, #tpu.memory_space<hbm>>) target(%arg6 : memref<8x128xi32, #tpu.memory_space<vmem>>) target_semaphore(%run_scoped3A_97 : memref<!tpu.dma_semaphore, #tpu.memory_space<semaphore_mem>>)
        %dma_wait3A_102 = arith.constant 0 : i32
        %dma_wait3A_103 = tpu.memref_slice %arg3[%add3A_65, %dma_wait3A_102] : memref<2560x128xi32, #tpu.memory_space<hbm>> -> memref<8x128xi32, #tpu.memory_space<hbm>>
        %dma_wait3A_104 = arith.constant 0 : i32
        %dma_wait3A_105 = tpu.memref_slice %arg3[%add3A_65, %dma_wait3A_104] : memref<2560x128xi32, #tpu.memory_space<hbm>> -> memref<8x128xi32, #tpu.memory_space<hbm>>
        tpu.wait_dma2 semaphore(%run_scoped3A_97 : memref<!tpu.dma_semaphore, #tpu.memory_space<semaphore_mem>>) src(%dma_wait3A_105 : memref<8x128xi32, #tpu.memory_space<hbm>>) dst(%arg6 : memref<8x128xi32, #tpu.memory_space<vmem>>)
        tpu.yield
      }) : () -> ()
      "tpu.region"() ({
        %run_scoped3A_97 = tpu.sem_alloc : memref<!tpu.dma_semaphore, #tpu.memory_space<semaphore_mem>>
        %dma_start3A_98 = arith.constant 0 : i32
        %dma_start3A_99 = tpu.memref_slice %arg4[%add3A_65, %dma_start3A_98] : memref<2560x128xi32, #tpu.memory_space<hbm>> -> memref<8x128xi32, #tpu.memory_space<hbm>>
        %dma_start3A_100 = arith.constant 0 : i32
        %dma_start3A_101 = tpu.memref_slice %arg4[%add3A_65, %dma_start3A_100] : memref<2560x128xi32, #tpu.memory_space<hbm>> -> memref<8x128xi32, #tpu.memory_space<hbm>>
        tpu.enqueue_dma source(%dma_start3A_101 : memref<8x128xi32, #tpu.memory_space<hbm>>) target(%arg7 : memref<8x128xi32, #tpu.memory_space<vmem>>) target_semaphore(%run_scoped3A_97 : memref<!tpu.dma_semaphore, #tpu.memory_space<semaphore_mem>>)
        %dma_wait3A_102 = arith.constant 0 : i32
        %dma_wait3A_103 = tpu.memref_slice %arg4[%add3A_65, %dma_wait3A_102] : memref<2560x128xi32, #tpu.memory_space<hbm>> -> memref<8x128xi32, #tpu.memory_space<hbm>>
        %dma_wait3A_104 = arith.constant 0 : i32
        %dma_wait3A_105 = tpu.memref_slice %arg4[%add3A_65, %dma_wait3A_104] : memref<2560x128xi32, #tpu.memory_space<hbm>> -> memref<8x128xi32, #tpu.memory_space<hbm>>
        tpu.wait_dma2 semaphore(%run_scoped3A_97 : memref<!tpu.dma_semaphore, #tpu.memory_space<semaphore_mem>>) src(%dma_wait3A_105 : memref<8x128xi32, #tpu.memory_space<hbm>>) dst(%arg7 : memref<8x128xi32, #tpu.memory_space<vmem>>)
        tpu.yield
      }) : () -> ()
      %dma_start3A = arith.constant 0 : i32
      %dma_start3A_66 = arith.constant 0 : i32
      %dma_start3A_67 = tpu.memref_slice %arg6[%dma_start3A, %dma_start3A_66] : memref<8x128xi32, #tpu.memory_space<vmem>> -> memref<1x128xi32, #tpu.memory_space<vmem>>
      %dma_start3A_68 = tpu.memref_squeeze %dma_start3A_67 : memref<1x128xi32, #tpu.memory_space<vmem>> -> memref<128xi32, #tpu.memory_space<vmem>>
      %dma_start3A_69 = arith.constant 0 : i32
      %dma_start3A_70 = arith.constant 0 : i32
      %dma_start3A_71 = tpu.memref_slice %arg2[%dma_start3A_69, %dma_start3A_70] : memref<10240x128xf32, #tpu.memory_space<hbm>> -> memref<10240x128xf32, #tpu.memory_space<hbm>>
      tpu.enqueue_indirect_dma source(%dma_start3A_71 : memref<10240x128xf32, #tpu.memory_space<hbm>>) target(%arg8 : memref<128x128xf32, #tpu.memory_space<vmem>>) offsets(%dma_start3A_68 : memref<128xi32, #tpu.memory_space<vmem>>) semaphore(%arg11 : memref<!tpu.dma_semaphore, #tpu.memory_space<semaphore_mem>>)
      %scan3A_72 = arith.constant 0 : i32
      %scan3A_73 = arith.constant 0 : i32
      %scan3A_74 = arith.constant 3 : i32
      %scan3A_75 = arith.addi %scan3A_73, %scan3A_74 : i32
      %scan3A_76 = arith.constant 1 : i32
      scf.for %scan3A_97 = %scan3A_73 to %scan3A_75 step %scan3A_76  : i32 {
        %mul3A_98 = arith.constant 2 : i32
        %mul3A_99 = arith.muli %mul3A_98, %scan3A_97 : i32
        %add3A_100 = arith.constant 1 : i32
        %add3A_101 = arith.addi %mul3A_99, %add3A_100 : i32
        %dma_start3A_102 = arith.constant 0 : i32
        %dma_start3A_103 = tpu.memref_slice %arg6[%add3A_101, %dma_start3A_102] : memref<8x128xi32, #tpu.memory_space<vmem>> -> memref<1x128xi32, #tpu.memory_space<vmem>>
        %dma_start3A_104 = tpu.memref_squeeze %dma_start3A_103 : memref<1x128xi32, #tpu.memory_space<vmem>> -> memref<128xi32, #tpu.memory_space<vmem>>
        %dma_start3A_105 = arith.constant 0 : i32
        %dma_start3A_106 = arith.constant 0 : i32
        %dma_start3A_107 = tpu.memref_slice %arg2[%dma_start3A_105, %dma_start3A_106] : memref<10240x128xf32, #tpu.memory_space<hbm>> -> memref<10240x128xf32, #tpu.memory_space<hbm>>
        tpu.enqueue_indirect_dma source(%dma_start3A_107 : memref<10240x128xf32, #tpu.memory_space<hbm>>) target(%arg9 : memref<128x128xf32, #tpu.memory_space<vmem>>) offsets(%dma_start3A_104 : memref<128xi32, #tpu.memory_space<vmem>>) semaphore(%arg12 : memref<!tpu.dma_semaphore, #tpu.memory_space<semaphore_mem>>)
        %dma_wait3A_108 = arith.constant 0 : i32
        %dma_wait3A_109 = arith.constant 0 : i32
        %dma_wait3A_110 = tpu.memref_slice %arg2[%dma_wait3A_108, %dma_wait3A_109] : memref<10240x128xf32, #tpu.memory_space<hbm>> -> memref<128x128xf32, #tpu.memory_space<hbm>>
        %dma_wait3A_111 = arith.constant 0 : i32
        %dma_wait3A_112 = arith.constant 0 : i32
        %dma_wait3A_113 = tpu.memref_slice %arg2[%dma_wait3A_111, %dma_wait3A_112] : memref<10240x128xf32, #tpu.memory_space<hbm>> -> memref<128x128xf32, #tpu.memory_space<hbm>>
        tpu.wait_dma2 semaphore(%arg11 : memref<!tpu.dma_semaphore, #tpu.memory_space<semaphore_mem>>) src(%dma_wait3A_113 : memref<128x128xf32, #tpu.memory_space<hbm>>) dst(%arg8 : memref<128x128xf32, #tpu.memory_space<vmem>>)
        %mul3A_114 = arith.constant 2 : i32
        %mul3A_115 = arith.muli %mul3A_114, %scan3A_97 : i32
        "tpu.region"() ({
          %run_scoped3A_136 = tpu.sem_alloc : memref<!tpu.dma_semaphore, #tpu.memory_space<semaphore_mem>>
          %dma_start3A_137 = arith.constant 0 : i32
          %dma_start3A_138 = tpu.memref_slice %arg7[%mul3A_115, %dma_start3A_137] : memref<8x128xi32, #tpu.memory_space<vmem>> -> memref<1x128xi32, #tpu.memory_space<vmem>>
          %dma_start3A_139 = tpu.memref_squeeze %dma_start3A_138 : memref<1x128xi32, #tpu.memory_space<vmem>> -> memref<128xi32, #tpu.memory_space<vmem>>
          %dma_start3A_140 = arith.constant 0 : i32
          %dma_start3A_141 = arith.constant 0 : i32
          %dma_start3A_142 = tpu.memref_slice %arg10[%dma_start3A_140, %dma_start3A_141] : memref<10240x128xf32, #tpu.memory_space<vmem_shared>> -> memref<10240x128xf32, #tpu.memory_space<vmem_shared>>
          tpu.enqueue_indirect_dma source(%arg8 : memref<128x128xf32, #tpu.memory_space<vmem>>) target(%dma_start3A_142 : memref<10240x128xf32, #tpu.memory_space<vmem_shared>>) offsets(%dma_start3A_139 : memref<128xi32, #tpu.memory_space<vmem>>) semaphore(%run_scoped3A_136 : memref<!tpu.dma_semaphore, #tpu.memory_space<semaphore_mem>>) {add = true}
          %dma_wait3A_143 = arith.constant 0 : i32
          %dma_wait3A_144 = tpu.memref_slice %arg7[%mul3A_115, %dma_wait3A_143] : memref<8x128xi32, #tpu.memory_space<vmem>> -> memref<1x128xi32, #tpu.memory_space<vmem>>
          %dma_wait3A_145 = tpu.memref_squeeze %dma_wait3A_144 : memref<1x128xi32, #tpu.memory_space<vmem>> -> memref<128xi32, #tpu.memory_space<vmem>>
          %dma_wait3A_146 = arith.constant 0 : i32
          %dma_wait3A_147 = arith.constant 0 : i32
          %dma_wait3A_148 = tpu.memref_slice %arg10[%dma_wait3A_146, %dma_wait3A_147] : memref<10240x128xf32, #tpu.memory_space<vmem_shared>> -> memref<10240x128xf32, #tpu.memory_space<vmem_shared>>
          tpu.wait_indirect_dma semaphore(%run_scoped3A_136 : memref<!tpu.dma_semaphore, #tpu.memory_space<semaphore_mem>>) src(%arg8 : memref<128x128xf32, #tpu.memory_space<vmem>>) dst(%dma_wait3A_148 : memref<10240x128xf32, #tpu.memory_space<vmem_shared>>)
          tpu.yield
        }) : () -> ()
        %mul3A_116 = arith.constant 2 : i32
        %mul3A_117 = arith.muli %mul3A_116, %scan3A_97 : i32
        %add3A_118 = arith.constant 2 : i32
        %add3A_119 = arith.addi %mul3A_117, %add3A_118 : i32
        %dma_start3A_120 = arith.constant 0 : i32
        %dma_start3A_121 = tpu.memref_slice %arg6[%add3A_119, %dma_start3A_120] : memref<8x128xi32, #tpu.memory_space<vmem>> -> memref<1x128xi32, #tpu.memory_space<vmem>>
        %dma_start3A_122 = tpu.memref_squeeze %dma_start3A_121 : memref<1x128xi32, #tpu.memory_space<vmem>> -> memref<128xi32, #tpu.memory_space<vmem>>
        %dma_start3A_123 = arith.constant 0 : i32
        %dma_start3A_124 = arith.constant 0 : i32
        %dma_start3A_125 = tpu.memref_slice %arg2[%dma_start3A_123, %dma_start3A_124] : memref<10240x128xf32, #tpu.memory_space<hbm>> -> memref<10240x128xf32, #tpu.memory_space<hbm>>
        tpu.enqueue_indirect_dma source(%dma_start3A_125 : memref<10240x128xf32, #tpu.memory_space<hbm>>) target(%arg8 : memref<128x128xf32, #tpu.memory_space<vmem>>) offsets(%dma_start3A_122 : memref<128xi32, #tpu.memory_space<vmem>>) semaphore(%arg11 : memref<!tpu.dma_semaphore, #tpu.memory_space<semaphore_mem>>)
        %dma_wait3A_126 = arith.constant 0 : i32
        %dma_wait3A_127 = arith.constant 0 : i32
        %dma_wait3A_128 = tpu.memref_slice %arg2[%dma_wait3A_126, %dma_wait3A_127] : memref<10240x128xf32, #tpu.memory_space<hbm>> -> memref<128x128xf32, #tpu.memory_space<hbm>>
        %dma_wait3A_129 = arith.constant 0 : i32
        %dma_wait3A_130 = arith.constant 0 : i32
        %dma_wait3A_131 = tpu.memref_slice %arg2[%dma_wait3A_129, %dma_wait3A_130] : memref<10240x128xf32, #tpu.memory_space<hbm>> -> memref<128x128xf32, #tpu.memory_space<hbm>>
        tpu.wait_dma2 semaphore(%arg12 : memref<!tpu.dma_semaphore, #tpu.memory_space<semaphore_mem>>) src(%dma_wait3A_131 : memref<128x128xf32, #tpu.memory_space<hbm>>) dst(%arg9 : memref<128x128xf32, #tpu.memory_space<vmem>>)
        %mul3A_132 = arith.constant 2 : i32
        %mul3A_133 = arith.muli %mul3A_132, %scan3A_97 : i32
        %add3A_134 = arith.constant 1 : i32
        %add3A_135 = arith.addi %mul3A_133, %add3A_134 : i32
        "tpu.region"() ({
          %run_scoped3A_136 = tpu.sem_alloc : memref<!tpu.dma_semaphore, #tpu.memory_space<semaphore_mem>>
          %dma_start3A_137 = arith.constant 0 : i32
          %dma_start3A_138 = tpu.memref_slice %arg7[%add3A_135, %dma_start3A_137] : memref<8x128xi32, #tpu.memory_space<vmem>> -> memref<1x128xi32, #tpu.memory_space<vmem>>
          %dma_start3A_139 = tpu.memref_squeeze %dma_start3A_138 : memref<1x128xi32, #tpu.memory_space<vmem>> -> memref<128xi32, #tpu.memory_space<vmem>>
          %dma_start3A_140 = arith.constant 0 : i32
          %dma_start3A_141 = arith.constant 0 : i32
          %dma_start3A_142 = tpu.memref_slice %arg10[%dma_start3A_140, %dma_start3A_141] : memref<10240x128xf32, #tpu.memory_space<vmem_shared>> -> memref<10240x128xf32, #tpu.memory_space<vmem_shared>>
          tpu.enqueue_indirect_dma source(%arg9 : memref<128x128xf32, #tpu.memory_space<vmem>>) target(%dma_start3A_142 : memref<10240x128xf32, #tpu.memory_space<vmem_shared>>) offsets(%dma_start3A_139 : memref<128xi32, #tpu.memory_space<vmem>>) semaphore(%run_scoped3A_136 : memref<!tpu.dma_semaphore, #tpu.memory_space<semaphore_mem>>) {add = true}
          %dma_wait3A_143 = arith.constant 0 : i32
          %dma_wait3A_144 = tpu.memref_slice %arg7[%add3A_135, %dma_wait3A_143] : memref<8x128xi32, #tpu.memory_space<vmem>> -> memref<1x128xi32, #tpu.memory_space<vmem>>
          %dma_wait3A_145 = tpu.memref_squeeze %dma_wait3A_144 : memref<1x128xi32, #tpu.memory_space<vmem>> -> memref<128xi32, #tpu.memory_space<vmem>>
          %dma_wait3A_146 = arith.constant 0 : i32
          %dma_wait3A_147 = arith.constant 0 : i32
          %dma_wait3A_148 = tpu.memref_slice %arg10[%dma_wait3A_146, %dma_wait3A_147] : memref<10240x128xf32, #tpu.memory_space<vmem_shared>> -> memref<10240x128xf32, #tpu.memory_space<vmem_shared>>
          tpu.wait_indirect_dma semaphore(%run_scoped3A_136 : memref<!tpu.dma_semaphore, #tpu.memory_space<semaphore_mem>>) src(%arg9 : memref<128x128xf32, #tpu.memory_space<vmem>>) dst(%dma_wait3A_148 : memref<10240x128xf32, #tpu.memory_space<vmem_shared>>)
          tpu.yield
        }) : () -> ()
      }
      %scan3A_77 = arith.constant 3 : i32
      %dma_start3A_78 = arith.constant 7 : i32
      %dma_start3A_79 = arith.constant 0 : i32
      %dma_start3A_80 = tpu.memref_slice %arg6[%dma_start3A_78, %dma_start3A_79] : memref<8x128xi32, #tpu.memory_space<vmem>> -> memref<1x128xi32, #tpu.memory_space<vmem>>
      %dma_start3A_81 = tpu.memref_squeeze %dma_start3A_80 : memref<1x128xi32, #tpu.memory_space<vmem>> -> memref<128xi32, #tpu.memory_space<vmem>>
      %dma_start3A_82 = arith.constant 0 : i32
      %dma_start3A_83 = arith.constant 0 : i32
      %dma_start3A_84 = tpu.memref_slice %arg2[%dma_start3A_82, %dma_start3A_83] : memref<10240x128xf32, #tpu.memory_space<hbm>> -> memref<10240x128xf32, #tpu.memory_space<hbm>>
      tpu.enqueue_indirect_dma source(%dma_start3A_84 : memref<10240x128xf32, #tpu.memory_space<hbm>>) target(%arg9 : memref<128x128xf32, #tpu.memory_space<vmem>>) offsets(%dma_start3A_81 : memref<128xi32, #tpu.memory_space<vmem>>) semaphore(%arg12 : memref<!tpu.dma_semaphore, #tpu.memory_space<semaphore_mem>>)
      %dma_wait3A = arith.constant 0 : i32
      %dma_wait3A_85 = arith.constant 0 : i32
      %dma_wait3A_86 = tpu.memref_slice %arg2[%dma_wait3A, %dma_wait3A_85] : memref<10240x128xf32, #tpu.memory_space<hbm>> -> memref<128x128xf32, #tpu.memory_space<hbm>>
      %dma_wait3A_87 = arith.constant 0 : i32
      %dma_wait3A_88 = arith.constant 0 : i32
      %dma_wait3A_89 = tpu.memref_slice %arg2[%dma_wait3A_87, %dma_wait3A_88] : memref<10240x128xf32, #tpu.memory_space<hbm>> -> memref<128x128xf32, #tpu.memory_space<hbm>>
      tpu.wait_dma2 semaphore(%arg11 : memref<!tpu.dma_semaphore, #tpu.memory_space<semaphore_mem>>) src(%dma_wait3A_89 : memref<128x128xf32, #tpu.memory_space<hbm>>) dst(%arg8 : memref<128x128xf32, #tpu.memory_space<vmem>>)
      %run_scoped3A = arith.constant 6 : i32
      "tpu.region"() ({
        %run_scoped3A_97 = tpu.sem_alloc : memref<!tpu.dma_semaphore, #tpu.memory_space<semaphore_mem>>
        %dma_start3A_98 = arith.constant 0 : i32
        %dma_start3A_99 = tpu.memref_slice %arg7[%run_scoped3A, %dma_start3A_98] : memref<8x128xi32, #tpu.memory_space<vmem>> -> memref<1x128xi32, #tpu.memory_space<vmem>>
        %dma_start3A_100 = tpu.memref_squeeze %dma_start3A_99 : memref<1x128xi32, #tpu.memory_space<vmem>> -> memref<128xi32, #tpu.memory_space<vmem>>
        %dma_start3A_101 = arith.constant 0 : i32
        %dma_start3A_102 = arith.constant 0 : i32
        %dma_start3A_103 = tpu.memref_slice %arg10[%dma_start3A_101, %dma_start3A_102] : memref<10240x128xf32, #tpu.memory_space<vmem_shared>> -> memref<10240x128xf32, #tpu.memory_space<vmem_shared>>
        tpu.enqueue_indirect_dma source(%arg8 : memref<128x128xf32, #tpu.memory_space<vmem>>) target(%dma_start3A_103 : memref<10240x128xf32, #tpu.memory_space<vmem_shared>>) offsets(%dma_start3A_100 : memref<128xi32, #tpu.memory_space<vmem>>) semaphore(%run_scoped3A_97 : memref<!tpu.dma_semaphore, #tpu.memory_space<semaphore_mem>>) {add = true}
        %dma_wait3A_104 = arith.constant 0 : i32
        %dma_wait3A_105 = tpu.memref_slice %arg7[%run_scoped3A, %dma_wait3A_104] : memref<8x128xi32, #tpu.memory_space<vmem>> -> memref<1x128xi32, #tpu.memory_space<vmem>>
        %dma_wait3A_106 = tpu.memref_squeeze %dma_wait3A_105 : memref<1x128xi32, #tpu.memory_space<vmem>> -> memref<128xi32, #tpu.memory_space<vmem>>
        %dma_wait3A_107 = arith.constant 0 : i32
        %dma_wait3A_108 = arith.constant 0 : i32
        %dma_wait3A_109 = tpu.memref_slice %arg10[%dma_wait3A_107, %dma_wait3A_108] : memref<10240x128xf32, #tpu.memory_space<vmem_shared>> -> memref<10240x128xf32, #tpu.memory_space<vmem_shared>>
        tpu.wait_indirect_dma semaphore(%run_scoped3A_97 : memref<!tpu.dma_semaphore, #tpu.memory_space<semaphore_mem>>) src(%arg8 : memref<128x128xf32, #tpu.memory_space<vmem>>) dst(%dma_wait3A_109 : memref<10240x128xf32, #tpu.memory_space<vmem_shared>>)
        tpu.yield
      }) : () -> ()
      %dma_wait3A_90 = arith.constant 0 : i32
      %dma_wait3A_91 = arith.constant 0 : i32
      %dma_wait3A_92 = tpu.memref_slice %arg2[%dma_wait3A_90, %dma_wait3A_91] : memref<10240x128xf32, #tpu.memory_space<hbm>> -> memref<128x128xf32, #tpu.memory_space<hbm>>
      %dma_wait3A_93 = arith.constant 0 : i32
      %dma_wait3A_94 = arith.constant 0 : i32
      %dma_wait3A_95 = tpu.memref_slice %arg2[%dma_wait3A_93, %dma_wait3A_94] : memref<10240x128xf32, #tpu.memory_space<hbm>> -> memref<128x128xf32, #tpu.memory_space<hbm>>
      tpu.wait_dma2 semaphore(%arg12 : memref<!tpu.dma_semaphore, #tpu.memory_space<semaphore_mem>>) src(%dma_wait3A_95 : memref<128x128xf32, #tpu.memory_space<hbm>>) dst(%arg9 : memref<128x128xf32, #tpu.memory_space<vmem>>)
      %run_scoped3A_96 = arith.constant 7 : i32
      "tpu.region"() ({
        %run_scoped3A_97 = tpu.sem_alloc : memref<!tpu.dma_semaphore, #tpu.memory_space<semaphore_mem>>
        %dma_start3A_98 = arith.constant 0 : i32
        %dma_start3A_99 = tpu.memref_slice %arg7[%run_scoped3A_96, %dma_start3A_98] : memref<8x128xi32, #tpu.memory_space<vmem>> -> memref<1x128xi32, #tpu.memory_space<vmem>>
        %dma_start3A_100 = tpu.memref_squeeze %dma_start3A_99 : memref<1x128xi32, #tpu.memory_space<vmem>> -> memref<128xi32, #tpu.memory_space<vmem>>
        %dma_start3A_101 = arith.constant 0 : i32
        %dma_start3A_102 = arith.constant 0 : i32
        %dma_start3A_103 = tpu.memref_slice %arg10[%dma_start3A_101, %dma_start3A_102] : memref<10240x128xf32, #tpu.memory_space<vmem_shared>> -> memref<10240x128xf32, #tpu.memory_space<vmem_shared>>
        tpu.enqueue_indirect_dma source(%arg9 : memref<128x128xf32, #tpu.memory_space<vmem>>) target(%dma_start3A_103 : memref<10240x128xf32, #tpu.memory_space<vmem_shared>>) offsets(%dma_start3A_100 : memref<128xi32, #tpu.memory_space<vmem>>) semaphore(%run_scoped3A_97 : memref<!tpu.dma_semaphore, #tpu.memory_space<semaphore_mem>>) {add = true}
        %dma_wait3A_104 = arith.constant 0 : i32
        %dma_wait3A_105 = tpu.memref_slice %arg7[%run_scoped3A_96, %dma_wait3A_104] : memref<8x128xi32, #tpu.memory_space<vmem>> -> memref<1x128xi32, #tpu.memory_space<vmem>>
        %dma_wait3A_106 = tpu.memref_squeeze %dma_wait3A_105 : memref<1x128xi32, #tpu.memory_space<vmem>> -> memref<128xi32, #tpu.memory_space<vmem>>
        %dma_wait3A_107 = arith.constant 0 : i32
        %dma_wait3A_108 = arith.constant 0 : i32
        %dma_wait3A_109 = tpu.memref_slice %arg10[%dma_wait3A_107, %dma_wait3A_108] : memref<10240x128xf32, #tpu.memory_space<vmem_shared>> -> memref<10240x128xf32, #tpu.memory_space<vmem_shared>>
        tpu.wait_indirect_dma semaphore(%run_scoped3A_97 : memref<!tpu.dma_semaphore, #tpu.memory_space<semaphore_mem>>) src(%arg9 : memref<128x128xf32, #tpu.memory_space<vmem>>) dst(%dma_wait3A_109 : memref<10240x128xf32, #tpu.memory_space<vmem_shared>>)
        tpu.yield
      }) : () -> ()
    }
    %barrier3A_55 = arith.constant 0 : index
    tpu.barrier barrier_id(%barrier3A_55)
    %scan3A_56 = arith.constant 0 : i32
    %scan3A_57 = arith.constant 0 : i32
    %scan3A_58 = arith.constant 5 : i32
    %scan3A_59 = arith.addi %scan3A_57, %scan3A_58 : i32
    %scan3A_60 = arith.constant 1 : i32
    scf.for %scan3A_62 = %scan3A_57 to %scan3A_59 step %scan3A_60  : i32 {
      %mul3A_63 = arith.constant 640 : i32
      %mul3A_64 = arith.muli %arg1, %mul3A_63 : i32
      %mul3A_65 = arith.constant 128 : i32
      %mul3A_66 = arith.muli %scan3A_62, %mul3A_65 : i32
      %add3A_67 = arith.addi %mul3A_64, %mul3A_66 : i32
      "tpu.region"() ({
        %run_scoped3A = tpu.sem_alloc : memref<!tpu.dma_semaphore, #tpu.memory_space<semaphore_mem>>
        %dma_start3A = arith.constant 0 : i32
        %dma_start3A_73 = tpu.memref_slice %arg10[%add3A_67, %dma_start3A] : memref<10240x128xf32, #tpu.memory_space<vmem_shared>> -> memref<128x128xf32, #tpu.memory_space<vmem_shared>>
        %dma_start3A_74 = arith.constant 0 : i32
        %dma_start3A_75 = tpu.memref_slice %arg10[%add3A_67, %dma_start3A_74] : memref<10240x128xf32, #tpu.memory_space<vmem_shared>> -> memref<128x128xf32, #tpu.memory_space<vmem_shared>>
        tpu.enqueue_dma source(%dma_start3A_75 : memref<128x128xf32, #tpu.memory_space<vmem_shared>>) target(%arg8 : memref<128x128xf32, #tpu.memory_space<vmem>>) target_semaphore(%run_scoped3A : memref<!tpu.dma_semaphore, #tpu.memory_space<semaphore_mem>>)
        %dma_wait3A = arith.constant 0 : i32
        %dma_wait3A_76 = tpu.memref_slice %arg10[%add3A_67, %dma_wait3A] : memref<10240x128xf32, #tpu.memory_space<vmem_shared>> -> memref<128x128xf32, #tpu.memory_space<vmem_shared>>
        %dma_wait3A_77 = arith.constant 0 : i32
        %dma_wait3A_78 = tpu.memref_slice %arg10[%add3A_67, %dma_wait3A_77] : memref<10240x128xf32, #tpu.memory_space<vmem_shared>> -> memref<128x128xf32, #tpu.memory_space<vmem_shared>>
        tpu.wait_dma2 semaphore(%run_scoped3A : memref<!tpu.dma_semaphore, #tpu.memory_space<semaphore_mem>>) src(%dma_wait3A_78 : memref<128x128xf32, #tpu.memory_space<vmem_shared>>) dst(%arg8 : memref<128x128xf32, #tpu.memory_space<vmem>>)
        tpu.yield
      }) : () -> ()
      %mul3A_68 = arith.constant 640 : i32
      %mul3A_69 = arith.muli %arg1, %mul3A_68 : i32
      %mul3A_70 = arith.constant 128 : i32
      %mul3A_71 = arith.muli %scan3A_62, %mul3A_70 : i32
      %add3A_72 = arith.addi %mul3A_69, %mul3A_71 : i32
      "tpu.region"() ({
        %run_scoped3A = tpu.sem_alloc : memref<!tpu.dma_semaphore, #tpu.memory_space<semaphore_mem>>
        %dma_start3A = arith.constant 0 : i32
        %dma_start3A_73 = tpu.memref_slice %arg5[%arg0, %add3A_72, %dma_start3A] : memref<2x10240x128xf32, #tpu.memory_space<hbm>> -> memref<1x128x128xf32, #tpu.memory_space<hbm>>
        %dma_start3A_74 = tpu.memref_squeeze %dma_start3A_73 : memref<1x128x128xf32, #tpu.memory_space<hbm>> -> memref<128x128xf32, #tpu.memory_space<hbm>>
        %dma_start3A_75 = arith.constant 0 : i32
        %dma_start3A_76 = tpu.memref_slice %arg5[%arg0, %add3A_72, %dma_start3A_75] : memref<2x10240x128xf32, #tpu.memory_space<hbm>> -> memref<1x128x128xf32, #tpu.memory_space<hbm>>
        %dma_start3A_77 = tpu.memref_squeeze %dma_start3A_76 : memref<1x128x128xf32, #tpu.memory_space<hbm>> -> memref<128x128xf32, #tpu.memory_space<hbm>>
        tpu.enqueue_dma source(%arg8 : memref<128x128xf32, #tpu.memory_space<vmem>>) target(%dma_start3A_77 : memref<128x128xf32, #tpu.memory_space<hbm>>) target_semaphore(%run_scoped3A : memref<!tpu.dma_semaphore, #tpu.memory_space<semaphore_mem>>)
        %dma_wait3A = arith.constant 0 : i32
        %dma_wait3A_78 = tpu.memref_slice %arg5[%arg0, %add3A_72, %dma_wait3A] : memref<2x10240x128xf32, #tpu.memory_space<hbm>> -> memref<1x128x128xf32, #tpu.memory_space<hbm>>
        %dma_wait3A_79 = tpu.memref_squeeze %dma_wait3A_78 : memref<1x128x128xf32, #tpu.memory_space<hbm>> -> memref<128x128xf32, #tpu.memory_space<hbm>>
        %dma_wait3A_80 = arith.constant 0 : i32
        %dma_wait3A_81 = tpu.memref_slice %arg5[%arg0, %add3A_72, %dma_wait3A_80] : memref<2x10240x128xf32, #tpu.memory_space<hbm>> -> memref<1x128x128xf32, #tpu.memory_space<hbm>>
        %dma_wait3A_82 = tpu.memref_squeeze %dma_wait3A_81 : memref<1x128x128xf32, #tpu.memory_space<hbm>> -> memref<128x128xf32, #tpu.memory_space<hbm>>
        tpu.wait_dma2 semaphore(%run_scoped3A : memref<!tpu.dma_semaphore, #tpu.memory_space<semaphore_mem>>) src(%arg8 : memref<128x128xf32, #tpu.memory_space<vmem>>) dst(%dma_wait3A_82 : memref<128x128xf32, #tpu.memory_space<hbm>>)
        tpu.yield
      }) : () -> ()
    }
    %scan3A_61 = arith.constant 5 : i32
    return
  }
}

#map = affine_map<(d0, d1) -> (0)>
#map1 = affine_map<(d0, d1) -> (0, 0, 0)>
module attributes {stable_mosaic.version = 14 : i64} {
  func.func @_deg_body(%arg0: i32, %arg1: i32, %arg2: memref<327680xi32, #tpu.memory_space<hbm>>, %arg3: memref<2x10240x16xf32, #tpu.memory_space<hbm>>, %arg4: memref<128x16xf32, #tpu.memory_space<vmem>>, %arg5: memref<128xi32, #tpu.memory_space<vmem>>, %arg6: memref<64x16xf32, #tpu.memory_space<vmem>>, %arg7: memref<10240x16xf32, #tpu.memory_space<vmem_shared>>) attributes {dimension_semantics = [#tpu.dimension_semantics<core_parallel>, #tpu.dimension_semantics<subcore_parallel>], iteration_bounds = array<i64: 2, 16>, scalar_prefetch = 0 : i64, scratch_operands = 4 : i64, tpu.core_type = #tpu.core_type<sc_vector_subcore>, window_params = [{transform_indices = #map}, {transform_indices = #map1}]} {
    %mul3A = arith.constant 16 : i32
    %mul3A_0 = arith.muli %arg0, %mul3A : i32
    %add3A = arith.addi %mul3A_0, %arg1 : i32
    %scan3A = arith.constant 0 : i32
    %scan3A_1 = arith.constant 0 : i32
    %scan3A_2 = arith.constant 128 : i32
    %scan3A_3 = arith.addi %scan3A_1, %scan3A_2 : i32
    %scan3A_4 = arith.constant 1 : i32
    scf.for %scan3A_31 = %scan3A_1 to %scan3A_3 step %scan3A_4  : i32 {
      %broadcast_in_dim3A = arith.constant 1.000000e+00 : f32
      %broadcast_in_dim3A_32 = vector.broadcast %broadcast_in_dim3A : f32 to vector<16xf32>
      %swap3A = arith.index_cast %scan3A_31 : i32 to index
      %swap3A_33 = arith.constant 0 : index
      %swap3A_34 = tpu.vector_load %arg4[%swap3A, %swap3A_33] {strides = array<i32>} : memref<128x16xf32, #tpu.memory_space<vmem>>, vector<1x16xf32>,
      %swap3A_35 = vector.shape_cast %swap3A_34 : vector<1x16xf32> to vector<16xf32>
      %swap3A_36 = vector.shape_cast %broadcast_in_dim3A_32 : vector<16xf32> to vector<1x16xf32>
      tpu.vector_store %arg4[%swap3A, %swap3A_33], %swap3A_36 {strides = array<i32>} : memref<128x16xf32, #tpu.memory_space<vmem>>, vector<1x16xf32>,
    }
    %scan3A_5 = arith.constant 128 : i32
    %scan3A_6 = arith.constant 0 : i32
    %scan3A_7 = arith.constant 0 : i32
    %scan3A_8 = arith.constant 64 : i32
    %scan3A_9 = arith.addi %scan3A_7, %scan3A_8 : i32
    %scan3A_10 = arith.constant 1 : i32
    scf.for %scan3A_31 = %scan3A_7 to %scan3A_9 step %scan3A_10  : i32 {
      %broadcast_in_dim3A = arith.constant 0.000000e+00 : f32
      %broadcast_in_dim3A_32 = vector.broadcast %broadcast_in_dim3A : f32 to vector<16xf32>
      %swap3A = arith.index_cast %scan3A_31 : i32 to index
      %swap3A_33 = arith.constant 0 : index
      %swap3A_34 = tpu.vector_load %arg6[%swap3A, %swap3A_33] {strides = array<i32>} : memref<64x16xf32, #tpu.memory_space<vmem>>, vector<1x16xf32>,
      %swap3A_35 = vector.shape_cast %swap3A_34 : vector<1x16xf32> to vector<16xf32>
      %swap3A_36 = vector.shape_cast %broadcast_in_dim3A_32 : vector<16xf32> to vector<1x16xf32>
      tpu.vector_store %arg6[%swap3A, %swap3A_33], %swap3A_36 {strides = array<i32>} : memref<64x16xf32, #tpu.memory_space<vmem>>, vector<1x16xf32>,
    }
    %scan3A_11 = arith.constant 64 : i32
    %scan3A_12 = arith.constant 0 : i32
    %scan3A_13 = arith.constant 0 : i32
    %scan3A_14 = arith.constant 10 : i32
    %scan3A_15 = arith.addi %scan3A_13, %scan3A_14 : i32
    %scan3A_16 = arith.constant 1 : i32
    scf.for %scan3A_31 = %scan3A_13 to %scan3A_15 step %scan3A_16  : i32 {
      %mul3A_32 = arith.constant 640 : i32
      %mul3A_33 = arith.muli %arg1, %mul3A_32 : i32
      %mul3A_34 = arith.constant 64 : i32
      %mul3A_35 = arith.muli %scan3A_31, %mul3A_34 : i32
      %add3A_36 = arith.addi %mul3A_33, %mul3A_35 : i32
      "tpu.region"() ({
        %run_scoped3A = tpu.sem_alloc : memref<!tpu.dma_semaphore, #tpu.memory_space<semaphore_mem>>
        %dma_start3A = arith.constant 0 : i32
        %dma_start3A_37 = tpu.memref_slice %arg7[%add3A_36, %dma_start3A] : memref<10240x16xf32, #tpu.memory_space<vmem_shared>> -> memref<64x16xf32, #tpu.memory_space<vmem_shared>>
        %dma_start3A_38 = arith.constant 0 : i32
        %dma_start3A_39 = tpu.memref_slice %arg7[%add3A_36, %dma_start3A_38] : memref<10240x16xf32, #tpu.memory_space<vmem_shared>> -> memref<64x16xf32, #tpu.memory_space<vmem_shared>>
        tpu.enqueue_dma source(%arg6 : memref<64x16xf32, #tpu.memory_space<vmem>>) target(%dma_start3A_39 : memref<64x16xf32, #tpu.memory_space<vmem_shared>>) target_semaphore(%run_scoped3A : memref<!tpu.dma_semaphore, #tpu.memory_space<semaphore_mem>>)
        %dma_wait3A = arith.constant 0 : i32
        %dma_wait3A_40 = tpu.memref_slice %arg7[%add3A_36, %dma_wait3A] : memref<10240x16xf32, #tpu.memory_space<vmem_shared>> -> memref<64x16xf32, #tpu.memory_space<vmem_shared>>
        %dma_wait3A_41 = arith.constant 0 : i32
        %dma_wait3A_42 = tpu.memref_slice %arg7[%add3A_36, %dma_wait3A_41] : memref<10240x16xf32, #tpu.memory_space<vmem_shared>> -> memref<64x16xf32, #tpu.memory_space<vmem_shared>>
        tpu.wait_dma2 semaphore(%run_scoped3A : memref<!tpu.dma_semaphore, #tpu.memory_space<semaphore_mem>>) src(%arg6 : memref<64x16xf32, #tpu.memory_space<vmem>>) dst(%dma_wait3A_42 : memref<64x16xf32, #tpu.memory_space<vmem_shared>>)
        tpu.yield
      }) : () -> ()
    }
    %scan3A_17 = arith.constant 10 : i32
    %barrier3A = arith.constant 0 : index
    tpu.barrier barrier_id(%barrier3A)
    %scan3A_18 = arith.constant 0 : i32
    %scan3A_19 = arith.constant 0 : i32
    %scan3A_20 = arith.constant 80 : i32
    %scan3A_21 = arith.addi %scan3A_19, %scan3A_20 : i32
    %scan3A_22 = arith.constant 1 : i32
    scf.for %scan3A_31 = %scan3A_19 to %scan3A_21 step %scan3A_22  : i32 {
      %mul3A_32 = arith.constant 10240 : i32
      %mul3A_33 = arith.muli %add3A, %mul3A_32 : i32
      %mul3A_34 = arith.constant 128 : i32
      %mul3A_35 = arith.muli %scan3A_31, %mul3A_34 : i32
      %add3A_36 = arith.addi %mul3A_33, %mul3A_35 : i32
      "tpu.region"() ({
        %run_scoped3A = tpu.sem_alloc : memref<!tpu.dma_semaphore, #tpu.memory_space<semaphore_mem>>
        %dma_start3A = tpu.memref_slice %arg2[%add3A_36] : memref<327680xi32, #tpu.memory_space<hbm>> -> memref<128xi32, #tpu.memory_space<hbm>>
        %dma_start3A_37 = tpu.memref_slice %arg2[%add3A_36] : memref<327680xi32, #tpu.memory_space<hbm>> -> memref<128xi32, #tpu.memory_space<hbm>>
        tpu.enqueue_dma source(%dma_start3A_37 : memref<128xi32, #tpu.memory_space<hbm>>) target(%arg5 : memref<128xi32, #tpu.memory_space<vmem>>) target_semaphore(%run_scoped3A : memref<!tpu.dma_semaphore, #tpu.memory_space<semaphore_mem>>)
        %dma_wait3A = tpu.memref_slice %arg2[%add3A_36] : memref<327680xi32, #tpu.memory_space<hbm>> -> memref<128xi32, #tpu.memory_space<hbm>>
        %dma_wait3A_38 = tpu.memref_slice %arg2[%add3A_36] : memref<327680xi32, #tpu.memory_space<hbm>> -> memref<128xi32, #tpu.memory_space<hbm>>
        tpu.wait_dma2 semaphore(%run_scoped3A : memref<!tpu.dma_semaphore, #tpu.memory_space<semaphore_mem>>) src(%dma_wait3A_38 : memref<128xi32, #tpu.memory_space<hbm>>) dst(%arg5 : memref<128xi32, #tpu.memory_space<vmem>>)
        tpu.yield
      }) : () -> ()
      "tpu.region"() ({
        %run_scoped3A = tpu.sem_alloc : memref<!tpu.dma_semaphore, #tpu.memory_space<semaphore_mem>>
        %dma_start3A = arith.constant 0 : i32
        %dma_start3A_37 = arith.constant 0 : i32
        %dma_start3A_38 = tpu.memref_slice %arg7[%dma_start3A, %dma_start3A_37] : memref<10240x16xf32, #tpu.memory_space<vmem_shared>> -> memref<10240x16xf32, #tpu.memory_space<vmem_shared>>
        tpu.enqueue_indirect_dma source(%arg4 : memref<128x16xf32, #tpu.memory_space<vmem>>) target(%dma_start3A_38 : memref<10240x16xf32, #tpu.memory_space<vmem_shared>>) offsets(%arg5 : memref<128xi32, #tpu.memory_space<vmem>>) semaphore(%run_scoped3A : memref<!tpu.dma_semaphore, #tpu.memory_space<semaphore_mem>>) {add = true}
        %dma_wait3A = arith.constant 0 : i32
        %dma_wait3A_39 = arith.constant 0 : i32
        %dma_wait3A_40 = tpu.memref_slice %arg7[%dma_wait3A, %dma_wait3A_39] : memref<10240x16xf32, #tpu.memory_space<vmem_shared>> -> memref<10240x16xf32, #tpu.memory_space<vmem_shared>>
        tpu.wait_indirect_dma semaphore(%run_scoped3A : memref<!tpu.dma_semaphore, #tpu.memory_space<semaphore_mem>>) src(%arg4 : memref<128x16xf32, #tpu.memory_space<vmem>>) dst(%dma_wait3A_40 : memref<10240x16xf32, #tpu.memory_space<vmem_shared>>)
        tpu.yield
      }) : () -> ()
    }
    %scan3A_23 = arith.constant 80 : i32
    %barrier3A_24 = arith.constant 0 : index
    tpu.barrier barrier_id(%barrier3A_24)
    %scan3A_25 = arith.constant 0 : i32
    %scan3A_26 = arith.constant 0 : i32
    %scan3A_27 = arith.constant 10 : i32
    %scan3A_28 = arith.addi %scan3A_26, %scan3A_27 : i32
    %scan3A_29 = arith.constant 1 : i32
    scf.for %scan3A_31 = %scan3A_26 to %scan3A_28 step %scan3A_29  : i32 {
      %mul3A_32 = arith.constant 640 : i32
      %mul3A_33 = arith.muli %arg1, %mul3A_32 : i32
      %mul3A_34 = arith.constant 64 : i32
      %mul3A_35 = arith.muli %scan3A_31, %mul3A_34 : i32
      %add3A_36 = arith.addi %mul3A_33, %mul3A_35 : i32
      "tpu.region"() ({
        %run_scoped3A = tpu.sem_alloc : memref<!tpu.dma_semaphore, #tpu.memory_space<semaphore_mem>>
        %dma_start3A = arith.constant 0 : i32
        %dma_start3A_42 = tpu.memref_slice %arg7[%add3A_36, %dma_start3A] : memref<10240x16xf32, #tpu.memory_space<vmem_shared>> -> memref<64x16xf32, #tpu.memory_space<vmem_shared>>
        %dma_start3A_43 = arith.constant 0 : i32
        %dma_start3A_44 = tpu.memref_slice %arg7[%add3A_36, %dma_start3A_43] : memref<10240x16xf32, #tpu.memory_space<vmem_shared>> -> memref<64x16xf32, #tpu.memory_space<vmem_shared>>
        tpu.enqueue_dma source(%dma_start3A_44 : memref<64x16xf32, #tpu.memory_space<vmem_shared>>) target(%arg6 : memref<64x16xf32, #tpu.memory_space<vmem>>) target_semaphore(%run_scoped3A : memref<!tpu.dma_semaphore, #tpu.memory_space<semaphore_mem>>)
        %dma_wait3A = arith.constant 0 : i32
        %dma_wait3A_45 = tpu.memref_slice %arg7[%add3A_36, %dma_wait3A] : memref<10240x16xf32, #tpu.memory_space<vmem_shared>> -> memref<64x16xf32, #tpu.memory_space<vmem_shared>>
        %dma_wait3A_46 = arith.constant 0 : i32
        %dma_wait3A_47 = tpu.memref_slice %arg7[%add3A_36, %dma_wait3A_46] : memref<10240x16xf32, #tpu.memory_space<vmem_shared>> -> memref<64x16xf32, #tpu.memory_space<vmem_shared>>
        tpu.wait_dma2 semaphore(%run_scoped3A : memref<!tpu.dma_semaphore, #tpu.memory_space<semaphore_mem>>) src(%dma_wait3A_47 : memref<64x16xf32, #tpu.memory_space<vmem_shared>>) dst(%arg6 : memref<64x16xf32, #tpu.memory_space<vmem>>)
        tpu.yield
      }) : () -> ()
      %mul3A_37 = arith.constant 640 : i32
      %mul3A_38 = arith.muli %arg1, %mul3A_37 : i32
      %mul3A_39 = arith.constant 64 : i32
      %mul3A_40 = arith.muli %scan3A_31, %mul3A_39 : i32
      %add3A_41 = arith.addi %mul3A_38, %mul3A_40 : i32
      "tpu.region"() ({
        %run_scoped3A = tpu.sem_alloc : memref<!tpu.dma_semaphore, #tpu.memory_space<semaphore_mem>>
        %dma_start3A = arith.constant 0 : i32
        %dma_start3A_42 = tpu.memref_slice %arg3[%arg0, %add3A_41, %dma_start3A] : memref<2x10240x16xf32, #tpu.memory_space<hbm>> -> memref<1x64x16xf32, #tpu.memory_space<hbm>>
        %dma_start3A_43 = tpu.memref_squeeze %dma_start3A_42 : memref<1x64x16xf32, #tpu.memory_space<hbm>> -> memref<64x16xf32, #tpu.memory_space<hbm>>
        %dma_start3A_44 = arith.constant 0 : i32
        %dma_start3A_45 = tpu.memref_slice %arg3[%arg0, %add3A_41, %dma_start3A_44] : memref<2x10240x16xf32, #tpu.memory_space<hbm>> -> memref<1x64x16xf32, #tpu.memory_space<hbm>>
        %dma_start3A_46 = tpu.memref_squeeze %dma_start3A_45 : memref<1x64x16xf32, #tpu.memory_space<hbm>> -> memref<64x16xf32, #tpu.memory_space<hbm>>
        tpu.enqueue_dma source(%arg6 : memref<64x16xf32, #tpu.memory_space<vmem>>) target(%dma_start3A_46 : memref<64x16xf32, #tpu.memory_space<hbm>>) target_semaphore(%run_scoped3A : memref<!tpu.dma_semaphore, #tpu.memory_space<semaphore_mem>>)
        %dma_wait3A = arith.constant 0 : i32
        %dma_wait3A_47 = tpu.memref_slice %arg3[%arg0, %add3A_41, %dma_wait3A] : memref<2x10240x16xf32, #tpu.memory_space<hbm>> -> memref<1x64x16xf32, #tpu.memory_space<hbm>>
        %dma_wait3A_48 = tpu.memref_squeeze %dma_wait3A_47 : memref<1x64x16xf32, #tpu.memory_space<hbm>> -> memref<64x16xf32, #tpu.memory_space<hbm>>
        %dma_wait3A_49 = arith.constant 0 : i32
        %dma_wait3A_50 = tpu.memref_slice %arg3[%arg0, %add3A_41, %dma_wait3A_49] : memref<2x10240x16xf32, #tpu.memory_space<hbm>> -> memref<1x64x16xf32, #tpu.memory_space<hbm>>
        %dma_wait3A_51 = tpu.memref_squeeze %dma_wait3A_50 : memref<1x64x16xf32, #tpu.memory_space<hbm>> -> memref<64x16xf32, #tpu.memory_space<hbm>>
        tpu.wait_dma2 semaphore(%run_scoped3A : memref<!tpu.dma_semaphore, #tpu.memory_space<semaphore_mem>>) src(%arg6 : memref<64x16xf32, #tpu.memory_space<vmem>>) dst(%dma_wait3A_51 : memref<64x16xf32, #tpu.memory_space<hbm>>)
        tpu.yield
      }) : () -> ()
    }
    %scan3A_30 = arith.constant 10 : i32
    return
  }
}

module attributes {stable_mosaic.version = 14 : i64} {
  func.func @_dis_body(%arg0: i32, %arg1: memref<2x256x16xf32, #tpu.memory_space<vmem>>, %arg2: memref<256x128xf32, #tpu.memory_space<vmem>>) attributes {dimension_semantics = [#tpu.dimension_semantics<arbitrary>], iteration_bounds = array<i64: 40>, scalar_prefetch = 0 : i64, scratch_operands = 0 : i64, tpu.core_type = #tpu.core_type<tc>, window_params = [{transform_indices = @transform_0, window_bounds = array<i64: 2, 256, 16>}, {transform_indices = @transform_1, window_bounds = array<i64: 256, 128>}]} {
    %get3A = arith.constant 0 : index
    %get3A_0 = arith.constant 0 : index
    %get3A_1 = arith.constant 0 : index
    %get3A_2 = vector.load %arg1[%get3A, %get3A_0, %get3A_1] : memref<2x256x16xf32, #tpu.memory_space<vmem>>, vector<2x256x16xf32>
    %slice3A = vector.extract_strided_slice %get3A_2 {offsets = [0, 0, 0], sizes = [1, 256, 1], strides = [1, 1, 1]} : vector<2x256x16xf32> to vector<1x256x1xf32>
    %squeeze3A = vector.shape_cast %slice3A : vector<1x256x1xf32> to vector<256xf32>
    %slice3A_3 = vector.extract_strided_slice %get3A_2 {offsets = [1, 0, 0], sizes = [1, 256, 1], strides = [1, 1, 1]} : vector<2x256x16xf32> to vector<1x256x1xf32>
    %squeeze3A_4 = vector.shape_cast %slice3A_3 : vector<1x256x1xf32> to vector<256xf32>
    %add3A = arith.addf %squeeze3A, %squeeze3A_4 : vector<256xf32>
    %add3A_5 = arith.constant 1.000000e+00 : f32
    %add3A_6 = vector.broadcast %add3A_5 : f32 to vector<256xf32>
    %add3A_7 = arith.addf %add3A, %add3A_6 : vector<256xf32>
    %rsqrt3A = math.rsqrt %add3A_7 : vector<256xf32>
    %broadcast_in_dim3A = vector.shape_cast %rsqrt3A : vector<256xf32> to vector<256x1xf32>
    %broadcast_in_dim3A_8 = arith.constant 1.000000e+00 : f32
    %broadcast_in_dim3A_9 = vector.broadcast %broadcast_in_dim3A_8 : f32 to vector<1x128xf32>
    %mul3A = vector.broadcast %broadcast_in_dim3A : vector<256x1xf32> to vector<256x128xf32>
    %mul3A_10 = vector.broadcast %broadcast_in_dim3A_9 : vector<1x128xf32> to vector<256x128xf32>
    %mul3A_11 = arith.mulf %mul3A, %mul3A_10 : vector<256x128xf32>
    %swap3A = arith.constant 0 : index
    %swap3A_12 = arith.constant 0 : index
    %swap3A_13 = vector.load %arg2[%swap3A, %swap3A_12] : memref<256x128xf32, #tpu.memory_space<vmem>>, vector<256x128xf32>
    tpu.vector_store %arg2[%swap3A, %swap3A_12], %mul3A_11 {strides = array<i32>} : memref<256x128xf32, #tpu.memory_space<vmem>>, vector<256x128xf32>,
    return
  }
  func.func @transform_0(%arg0: i32) -> (i32, i32, i32) {
    %c0_i32 = arith.constant 0 : i32
    %c0_i32_0 = arith.constant 0 : i32
    %c0_i32_1 = arith.constant 0 : i32
    return %c0_i32, %arg0, %c0_i32_0 : i32, i32, i32
  }
  func.func @transform_1(%arg0: i32) -> (i32, i32) {
    %c0_i32 = arith.constant 0 : i32
    %c0_i32_0 = arith.constant 0 : i32
    return %arg0, %c0_i32 : i32, i32
  }
}

module attributes {stable_mosaic.version = 14 : i64} {
  func.func @_pre_body(%arg0: i32, %arg1: memref<512x128xf32, #tpu.memory_space<vmem>>, %arg2: memref<512x128xf32, #tpu.memory_space<vmem>>, %arg3: memref<128x128xf32, #tpu.memory_space<vmem>>, %arg4: memref<1x128xf32, #tpu.memory_space<vmem>>, %arg5: memref<1x128xf32, #tpu.memory_space<vmem>>, %arg6: memref<1x128xf32, #tpu.memory_space<vmem>>, %arg7: memref<128x128xf32, #tpu.memory_space<vmem>>, %arg8: memref<1x128xf32, #tpu.memory_space<vmem>>, %arg9: memref<128x128xf32, #tpu.memory_space<vmem>>, %arg10: memref<1x128xf32, #tpu.memory_space<vmem>>, %arg11: memref<512x128xf32, #tpu.memory_space<vmem>>, %arg12: memref<512x128xf32, #tpu.memory_space<vmem>>, %arg13: memref<512x128xf32, #tpu.memory_space<vmem>>) attributes {dimension_semantics = [#tpu.dimension_semantics<arbitrary>], iteration_bounds = array<i64: 20>, scalar_prefetch = 0 : i64, scratch_operands = 0 : i64, tpu.core_type = #tpu.core_type<tc>, window_params = [{transform_indices = @transform_0, window_bounds = array<i64: 512, 128>}, {transform_indices = @transform_1, window_bounds = array<i64: 512, 128>}, {pipeline_mode = #tpu.pipeline_mode<synchronous>, transform_indices = @transform_2, window_bounds = array<i64: 128, 128>}, {pipeline_mode = #tpu.pipeline_mode<synchronous>, transform_indices = @transform_3, window_bounds = array<i64: 1, 128>}, {pipeline_mode = #tpu.pipeline_mode<synchronous>, transform_indices = @transform_4, window_bounds = array<i64: 1, 128>}, {pipeline_mode = #tpu.pipeline_mode<synchronous>, transform_indices = @transform_5, window_bounds = array<i64: 1, 128>}, {pipeline_mode = #tpu.pipeline_mode<synchronous>, transform_indices = @transform_6, window_bounds = array<i64: 128, 128>}, {pipeline_mode = #tpu.pipeline_mode<synchronous>, transform_indices = @transform_7, window_bounds = array<i64: 1, 128>}, {pipeline_mode = #tpu.pipeline_mode<synchronous>, transform_indices = @transform_8, window_bounds = array<i64: 128, 128>}, {pipeline_mode = #tpu.pipeline_mode<synchronous>, transform_indices = @transform_9, window_bounds = array<i64: 1, 128>}, {transform_indices = @transform_10, window_bounds = array<i64: 512, 128>}, {transform_indices = @transform_11, window_bounds = array<i64: 512, 128>}, {transform_indices = @transform_12, window_bounds = array<i64: 512, 128>}]} {
    %get3A = arith.constant 0 : index
    %get3A_0 = arith.constant 0 : index
    %get3A_1 = vector.load %arg1[%get3A, %get3A_0] : memref<512x128xf32, #tpu.memory_space<vmem>>, vector<512x128xf32>
    %get3A_2 = arith.constant 0 : index
    %get3A_3 = arith.constant 0 : index
    %get3A_4 = vector.load %arg3[%get3A_2, %get3A_3] : memref<128x128xf32, #tpu.memory_space<vmem>>, vector<128x128xf32>
    %dot_general3A = arith.constant dense<0.000000e+00> : vector<512x128xf32>
    %dot_general3A_5 = tpu.matmul %get3A_1, %get3A_4, %dot_general3A {dimension_numbers = #tpu.dot_dimension_numbers<[1], [0], [0], [1], [0, 0, 1, 1], [], []>, transpose_lhs_hint = false} : vector<512x128xf32>, vector<128x128xf32>, vector<512x128xf32> -> vector<512x128xf32>
    %get3A_6 = arith.constant 0 : index
    %get3A_7 = arith.constant 0 : index
    %get3A_8 = vector.load %arg4[%get3A_6, %get3A_7] : memref<1x128xf32, #tpu.memory_space<vmem>>, vector<1x128xf32>
    %add3A = vector.broadcast %get3A_8 : vector<1x128xf32> to vector<512x128xf32>
    %add3A_9 = arith.addf %dot_general3A_5, %add3A : vector<512x128xf32>
    %get3A_10 = arith.constant 0 : index
    %get3A_11 = arith.constant 0 : index
    %get3A_12 = vector.load %arg5[%get3A_10, %get3A_11] : memref<1x128xf32, #tpu.memory_space<vmem>>, vector<1x128xf32>
    %get3A_13 = arith.constant 0 : index
    %get3A_14 = arith.constant 0 : index
    %get3A_15 = vector.load %arg6[%get3A_13, %get3A_14] : memref<1x128xf32, #tpu.memory_space<vmem>>, vector<1x128xf32>
    %reduce_sum3A = arith.constant dense<0.000000e+00> : vector<512xf32>
    %reduce_sum3A_16 = vector.multi_reduction <add>, %add3A_9, %reduce_sum3A [1] : vector<512x128xf32> to vector<512xf32>
    %broadcast_in_dim3A = vector.shape_cast %reduce_sum3A_16 : vector<512xf32> to vector<512x1xf32>
    %div3A = arith.constant 1.280000e+02 : f32
    %div3A_17 = vector.broadcast %div3A : f32 to vector<512x1xf32>
    %div3A_18 = arith.divf %broadcast_in_dim3A, %div3A_17 : vector<512x1xf32>
    %sub3A = vector.broadcast %div3A_18 : vector<512x1xf32> to vector<512x128xf32>
    %sub3A_19 = arith.subf %add3A_9, %sub3A : vector<512x128xf32>
    %sub3A_20 = vector.broadcast %div3A_18 : vector<512x1xf32> to vector<512x128xf32>
    %sub3A_21 = arith.subf %add3A_9, %sub3A_20 : vector<512x128xf32>
    %mul3A = arith.mulf %sub3A_19, %sub3A_21 : vector<512x128xf32>
    %reduce_sum3A_22 = arith.constant dense<0.000000e+00> : vector<512xf32>
    %reduce_sum3A_23 = vector.multi_reduction <add>, %mul3A, %reduce_sum3A_22 [1] : vector<512x128xf32> to vector<512xf32>
    %broadcast_in_dim3A_24 = vector.shape_cast %reduce_sum3A_23 : vector<512xf32> to vector<512x1xf32>
    %div3A_25 = arith.constant 1.280000e+02 : f32
    %div3A_26 = vector.broadcast %div3A_25 : f32 to vector<512x1xf32>
    %div3A_27 = arith.divf %broadcast_in_dim3A_24, %div3A_26 : vector<512x1xf32>
    %sub3A_28 = vector.broadcast %div3A_18 : vector<512x1xf32> to vector<512x128xf32>
    %sub3A_29 = arith.subf %add3A_9, %sub3A_28 : vector<512x128xf32>
    %add3A_30 = arith.constant 9.99999974E-6 : f32
    %add3A_31 = vector.broadcast %add3A_30 : f32 to vector<512x1xf32>
    %add3A_32 = arith.addf %div3A_27, %add3A_31 : vector<512x1xf32>
    %rsqrt3A = math.rsqrt %add3A_32 : vector<512x1xf32>
    %mul3A_33 = vector.broadcast %rsqrt3A : vector<512x1xf32> to vector<512x128xf32>
    %mul3A_34 = arith.mulf %sub3A_29, %mul3A_33 : vector<512x128xf32>
    %mul3A_35 = vector.broadcast %get3A_12 : vector<1x128xf32> to vector<512x128xf32>
    %mul3A_36 = arith.mulf %mul3A_34, %mul3A_35 : vector<512x128xf32>
    %add3A_37 = vector.broadcast %get3A_15 : vector<1x128xf32> to vector<512x128xf32>
    %add3A_38 = arith.addf %mul3A_36, %add3A_37 : vector<512x128xf32>
    %max3A = arith.constant 0.000000e+00 : f32
    %max3A_39 = vector.broadcast %max3A : f32 to vector<512x128xf32>
    %max3A_40 = arith.maximumf %add3A_38, %max3A_39 : vector<512x128xf32>
    %get3A_41 = arith.constant 0 : index
    %get3A_42 = arith.constant 0 : index
    %get3A_43 = vector.load %arg7[%get3A_41, %get3A_42] : memref<128x128xf32, #tpu.memory_space<vmem>>, vector<128x128xf32>
    %dot_general3A_44 = arith.constant dense<0.000000e+00> : vector<512x128xf32>
    %dot_general3A_45 = tpu.matmul %max3A_40, %get3A_43, %dot_general3A_44 {dimension_numbers = #tpu.dot_dimension_numbers<[1], [0], [0], [1], [0, 0, 1, 1], [], []>, transpose_lhs_hint = false} : vector<512x128xf32>, vector<128x128xf32>, vector<512x128xf32> -> vector<512x128xf32>
    %get3A_46 = arith.constant 0 : index
    %get3A_47 = arith.constant 0 : index
    %get3A_48 = vector.load %arg8[%get3A_46, %get3A_47] : memref<1x128xf32, #tpu.memory_space<vmem>>, vector<1x128xf32>
    %add3A_49 = vector.broadcast %get3A_48 : vector<1x128xf32> to vector<512x128xf32>
    %add3A_50 = arith.addf %dot_general3A_45, %add3A_49 : vector<512x128xf32>
    %max3A_51 = arith.constant 0.000000e+00 : f32
    %max3A_52 = vector.broadcast %max3A_51 : f32 to vector<512x128xf32>
    %max3A_53 = arith.maximumf %add3A_50, %max3A_52 : vector<512x128xf32>
    %get3A_54 = arith.constant 0 : index
    %get3A_55 = arith.constant 0 : index
    %get3A_56 = vector.load %arg9[%get3A_54, %get3A_55] : memref<128x128xf32, #tpu.memory_space<vmem>>, vector<128x128xf32>
    %dot_general3A_57 = arith.constant dense<0.000000e+00> : vector<512x128xf32>
    %dot_general3A_58 = tpu.matmul %max3A_40, %get3A_56, %dot_general3A_57 {dimension_numbers = #tpu.dot_dimension_numbers<[1], [0], [0], [1], [0, 0, 1, 1], [], []>, transpose_lhs_hint = false} : vector<512x128xf32>, vector<128x128xf32>, vector<512x128xf32> -> vector<512x128xf32>
    %get3A_59 = arith.constant 0 : index
    %get3A_60 = arith.constant 0 : index
    %get3A_61 = vector.load %arg10[%get3A_59, %get3A_60] : memref<1x128xf32, #tpu.memory_space<vmem>>, vector<1x128xf32>
    %add3A_62 = vector.broadcast %get3A_61 : vector<1x128xf32> to vector<512x128xf32>
    %add3A_63 = arith.addf %dot_general3A_58, %add3A_62 : vector<512x128xf32>
    %max3A_64 = arith.constant 0.000000e+00 : f32
    %max3A_65 = vector.broadcast %max3A_64 : f32 to vector<512x128xf32>
    %max3A_66 = arith.maximumf %add3A_63, %max3A_65 : vector<512x128xf32>
    %get3A_67 = arith.constant 0 : index
    %get3A_68 = arith.constant 0 : index
    %get3A_69 = vector.load %arg2[%get3A_67, %get3A_68] : memref<512x128xf32, #tpu.memory_space<vmem>>, vector<512x128xf32>
    %swap3A = arith.constant 0 : index
    %swap3A_70 = arith.constant 0 : index
    %swap3A_71 = vector.load %arg11[%swap3A, %swap3A_70] : memref<512x128xf32, #tpu.memory_space<vmem>>, vector<512x128xf32>
    tpu.vector_store %arg11[%swap3A, %swap3A_70], %max3A_53 {strides = array<i32>} : memref<512x128xf32, #tpu.memory_space<vmem>>, vector<512x128xf32>,
    %swap3A_72 = arith.constant 0 : index
    %swap3A_73 = arith.constant 0 : index
    %swap3A_74 = vector.load %arg12[%swap3A_72, %swap3A_73] : memref<512x128xf32, #tpu.memory_space<vmem>>, vector<512x128xf32>
    tpu.vector_store %arg12[%swap3A_72, %swap3A_73], %max3A_66 {strides = array<i32>} : memref<512x128xf32, #tpu.memory_space<vmem>>, vector<512x128xf32>,
    %mul3A_75 = arith.mulf %get3A_69, %max3A_66 : vector<512x128xf32>
    %swap3A_76 = arith.constant 0 : index
    %swap3A_77 = arith.constant 0 : index
    %swap3A_78 = vector.load %arg13[%swap3A_76, %swap3A_77] : memref<512x128xf32, #tpu.memory_space<vmem>>, vector<512x128xf32>
    tpu.vector_store %arg13[%swap3A_76, %swap3A_77], %mul3A_75 {strides = array<i32>} : memref<512x128xf32, #tpu.memory_space<vmem>>, vector<512x128xf32>,
    return
  }
  func.func @transform_0(%arg0: i32) -> (i32, i32) {
    %c0_i32 = arith.constant 0 : i32
    %c0_i32_0 = arith.constant 0 : i32
    return %arg0, %c0_i32 : i32, i32
  }
  func.func @transform_1(%arg0: i32) -> (i32, i32) {
    %c0_i32 = arith.constant 0 : i32
    %c0_i32_0 = arith.constant 0 : i32
    return %arg0, %c0_i32 : i32, i32
  }
  func.func @transform_2(%arg0: i32) -> (i32, i32) {
    %c0_i32 = arith.constant 0 : i32
    %c0_i32_0 = arith.constant 0 : i32
    %c0_i32_1 = arith.constant 0 : i32
    return %c0_i32, %c0_i32_0 : i32, i32
  }
  func.func @transform_3(%arg0: i32) -> (i32, i32) {
    %c0_i32 = arith.constant 0 : i32
    %c0_i32_0 = arith.constant 0 : i32
    %c0_i32_1 = arith.constant 0 : i32
    return %c0_i32, %c0_i32_0 : i32, i32
  }
  func.func @transform_4(%arg0: i32) -> (i32, i32) {
    %c0_i32 = arith.constant 0 : i32
    %c0_i32_0 = arith.constant 0 : i32
    %c0_i32_1 = arith.constant 0 : i32
    return %c0_i32, %c0_i32_0 : i32, i32
  }
  func.func @transform_5(%arg0: i32) -> (i32, i32) {
    %c0_i32 = arith.constant 0 : i32
    %c0_i32_0 = arith.constant 0 : i32
    %c0_i32_1 = arith.constant 0 : i32
    return %c0_i32, %c0_i32_0 : i32, i32
  }
  func.func @transform_6(%arg0: i32) -> (i32, i32) {
    %c0_i32 = arith.constant 0 : i32
    %c0_i32_0 = arith.constant 0 : i32
    %c0_i32_1 = arith.constant 0 : i32
    return %c0_i32, %c0_i32_0 : i32, i32
  }
  func.func @transform_7(%arg0: i32) -> (i32, i32) {
    %c0_i32 = arith.constant 0 : i32
    %c0_i32_0 = arith.constant 0 : i32
    %c0_i32_1 = arith.constant 0 : i32
    return %c0_i32, %c0_i32_0 : i32, i32
  }
  func.func @transform_8(%arg0: i32) -> (i32, i32) {
    %c0_i32 = arith.constant 0 : i32
    %c0_i32_0 = arith.constant 0 : i32
    %c0_i32_1 = arith.constant 0 : i32
    return %c0_i32, %c0_i32_0 : i32, i32
  }
  func.func @transform_9(%arg0: i32) -> (i32, i32) {
    %c0_i32 = arith.constant 0 : i32
    %c0_i32_0 = arith.constant 0 : i32
    %c0_i32_1 = arith.constant 0 : i32
    return %c0_i32, %c0_i32_0 : i32, i32
  }
  func.func @transform_10(%arg0: i32) -> (i32, i32) {
    %c0_i32 = arith.constant 0 : i32
    %c0_i32_0 = arith.constant 0 : i32
    return %arg0, %c0_i32 : i32, i32
  }
  func.func @transform_11(%arg0: i32) -> (i32, i32) {
    %c0_i32 = arith.constant 0 : i32
    %c0_i32_0 = arith.constant 0 : i32
    return %arg0, %c0_i32 : i32, i32
  }
  func.func @transform_12(%arg0: i32) -> (i32, i32) {
    %c0_i32 = arith.constant 0 : i32
    %c0_i32_0 = arith.constant 0 : i32
    return %arg0, %c0_i32 : i32, i32
  }
}

module attributes {stable_mosaic.version = 14 : i64} {
  func.func @_layer_body(%arg0: i32, %arg1: memref<512x128xf32, #tpu.memory_space<vmem>>, %arg2: memref<512x128xf32, #tpu.memory_space<vmem>>, %arg3: memref<512x128xf32, #tpu.memory_space<vmem>>, %arg4: memref<2x512x128xf32, #tpu.memory_space<vmem>>, %arg5: memref<512x128xf32, #tpu.memory_space<vmem>>, %arg6: memref<2x128x128xf32, #tpu.memory_space<vmem>>, %arg7: memref<1x128xf32, #tpu.memory_space<vmem>>, %arg8: memref<2x128x128xf32, #tpu.memory_space<vmem>>, %arg9: memref<1x128xf32, #tpu.memory_space<vmem>>, %arg10: memref<2x128x128xf32, #tpu.memory_space<vmem>>, %arg11: memref<1x128xf32, #tpu.memory_space<vmem>>, %arg12: memref<2x128x128xf32, #tpu.memory_space<vmem>>, %arg13: memref<1x128xf32, #tpu.memory_space<vmem>>, %arg14: memref<1x128xf32, #tpu.memory_space<vmem>>, %arg15: memref<1x128xf32, #tpu.memory_space<vmem>>, %arg16: memref<512x128xf32, #tpu.memory_space<vmem>>, %arg17: memref<512x128xf32, #tpu.memory_space<vmem>>) attributes {dimension_semantics = [#tpu.dimension_semantics<arbitrary>], iteration_bounds = array<i64: 20>, scalar_prefetch = 0 : i64, scratch_operands = 0 : i64, tpu.core_type = #tpu.core_type<tc>, window_params = [{transform_indices = @transform_0, window_bounds = array<i64: 512, 128>}, {transform_indices = @transform_1, window_bounds = array<i64: 512, 128>}, {transform_indices = @transform_2, window_bounds = array<i64: 512, 128>}, {transform_indices = @transform_3, window_bounds = array<i64: 2, 512, 128>}, {transform_indices = @transform_4, window_bounds = array<i64: 512, 128>}, {pipeline_mode = #tpu.pipeline_mode<synchronous>, transform_indices = @transform_5, window_bounds = array<i64: 2, 128, 128>}, {pipeline_mode = #tpu.pipeline_mode<synchronous>, transform_indices = @transform_6, window_bounds = array<i64: 1, 128>}, {pipeline_mode = #tpu.pipeline_mode<synchronous>, transform_indices = @transform_7, window_bounds = array<i64: 2, 128, 128>}, {pipeline_mode = #tpu.pipeline_mode<synchronous>, transform_indices = @transform_8, window_bounds = array<i64: 1, 128>}, {pipeline_mode = #tpu.pipeline_mode<synchronous>, transform_indices = @transform_9, window_bounds = array<i64: 2, 128, 128>}, {pipeline_mode = #tpu.pipeline_mode<synchronous>, transform_indices = @transform_10, window_bounds = array<i64: 1, 128>}, {pipeline_mode = #tpu.pipeline_mode<synchronous>, transform_indices = @transform_11, window_bounds = array<i64: 2, 128, 128>}, {pipeline_mode = #tpu.pipeline_mode<synchronous>, transform_indices = @transform_12, window_bounds = array<i64: 1, 128>}, {pipeline_mode = #tpu.pipeline_mode<synchronous>, transform_indices = @transform_13, window_bounds = array<i64: 1, 128>}, {pipeline_mode = #tpu.pipeline_mode<synchronous>, transform_indices = @transform_14, window_bounds = array<i64: 1, 128>}, {transform_indices = @transform_15, window_bounds = array<i64: 512, 128>}, {transform_indices = @transform_16, window_bounds = array<i64: 512, 128>}]} {
    %get3A = arith.constant 0 : index
    %get3A_0 = arith.constant 0 : index
    %get3A_1 = vector.load %arg1[%get3A, %get3A_0] : memref<512x128xf32, #tpu.memory_space<vmem>>, vector<512x128xf32>
    %get3A_2 = arith.constant 0 : index
    %get3A_3 = arith.constant 0 : index
    %get3A_4 = vector.load %arg5[%get3A_2, %get3A_3] : memref<512x128xf32, #tpu.memory_space<vmem>>, vector<512x128xf32>
    %get3A_5 = arith.constant 0 : index
    %get3A_6 = arith.constant 0 : index
    %get3A_7 = arith.constant 0 : index
    %get3A_8 = vector.load %arg4[%get3A_5, %get3A_6, %get3A_7] : memref<2x512x128xf32, #tpu.memory_space<vmem>>, vector<2x512x128xf32>
    %slice3A = vector.extract_strided_slice %get3A_8 {offsets = [0, 0, 0], sizes = [1, 512, 128], strides = [1, 1, 1]} : vector<2x512x128xf32> to vector<1x512x128xf32>
    %squeeze3A = vector.shape_cast %slice3A : vector<1x512x128xf32> to vector<512x128xf32>
    %slice3A_9 = vector.extract_strided_slice %get3A_8 {offsets = [1, 0, 0], sizes = [1, 512, 128], strides = [1, 1, 1]} : vector<2x512x128xf32> to vector<1x512x128xf32>
    %squeeze3A_10 = vector.shape_cast %slice3A_9 : vector<1x512x128xf32> to vector<512x128xf32>
    %add3A = arith.addf %squeeze3A, %squeeze3A_10 : vector<512x128xf32>
    %get3A_11 = arith.constant 0 : index
    %get3A_12 = arith.constant 0 : index
    %get3A_13 = vector.load %arg2[%get3A_11, %get3A_12] : memref<512x128xf32, #tpu.memory_space<vmem>>, vector<512x128xf32>
    %add3A_14 = arith.addf %add3A, %get3A_13 : vector<512x128xf32>
    %mul3A = arith.mulf %get3A_4, %add3A_14 : vector<512x128xf32>
    %get3A_15 = arith.constant 0 : index
    %get3A_16 = arith.constant 0 : index
    %get3A_17 = arith.constant 0 : index
    %get3A_18 = vector.load %arg6[%get3A_15, %get3A_16, %get3A_17] : memref<2x128x128xf32, #tpu.memory_space<vmem>>, vector<2x128x128xf32>
    %get3A_19 = arith.constant 0 : index
    %get3A_20 = arith.constant 0 : index
    %get3A_21 = arith.constant 0 : index
    %get3A_22 = vector.load %arg8[%get3A_19, %get3A_20, %get3A_21] : memref<2x128x128xf32, #tpu.memory_space<vmem>>, vector<2x128x128xf32>
    %get3A_23 = arith.constant 0 : index
    %get3A_24 = arith.constant 0 : index
    %get3A_25 = arith.constant 0 : index
    %get3A_26 = vector.load %arg10[%get3A_23, %get3A_24, %get3A_25] : memref<2x128x128xf32, #tpu.memory_space<vmem>>, vector<2x128x128xf32>
    %get3A_27 = arith.constant 0 : index
    %get3A_28 = arith.constant 0 : index
    %get3A_29 = arith.constant 0 : index
    %get3A_30 = vector.load %arg12[%get3A_27, %get3A_28, %get3A_29] : memref<2x128x128xf32, #tpu.memory_space<vmem>>, vector<2x128x128xf32>
    %slice3A_31 = vector.extract_strided_slice %get3A_18 {offsets = [0, 0, 0], sizes = [1, 128, 128], strides = [1, 1, 1]} : vector<2x128x128xf32> to vector<1x128x128xf32>
    %squeeze3A_32 = vector.shape_cast %slice3A_31 : vector<1x128x128xf32> to vector<128x128xf32>
    %dot_general3A = arith.constant dense<0.000000e+00> : vector<512x128xf32>
    %dot_general3A_33 = tpu.matmul %get3A_1, %squeeze3A_32, %dot_general3A {dimension_numbers = #tpu.dot_dimension_numbers<[1], [0], [0], [1], [0, 0, 1, 1], [], []>, transpose_lhs_hint = false} : vector<512x128xf32>, vector<128x128xf32>, vector<512x128xf32> -> vector<512x128xf32>
    %slice3A_34 = vector.extract_strided_slice %get3A_18 {offsets = [1, 0, 0], sizes = [1, 128, 128], strides = [1, 1, 1]} : vector<2x128x128xf32> to vector<1x128x128xf32>
    %squeeze3A_35 = vector.shape_cast %slice3A_34 : vector<1x128x128xf32> to vector<128x128xf32>
    %dot_general3A_36 = arith.constant dense<0.000000e+00> : vector<512x128xf32>
    %dot_general3A_37 = tpu.matmul %mul3A, %squeeze3A_35, %dot_general3A_36 {dimension_numbers = #tpu.dot_dimension_numbers<[1], [0], [0], [1], [0, 0, 1, 1], [], []>, transpose_lhs_hint = false} : vector<512x128xf32>, vector<128x128xf32>, vector<512x128xf32> -> vector<512x128xf32>
    %add3A_38 = arith.addf %dot_general3A_33, %dot_general3A_37 : vector<512x128xf32>
    %get3A_39 = arith.constant 0 : index
    %get3A_40 = arith.constant 0 : index
    %get3A_41 = vector.load %arg7[%get3A_39, %get3A_40] : memref<1x128xf32, #tpu.memory_space<vmem>>, vector<1x128xf32>
    %add3A_42 = vector.broadcast %get3A_41 : vector<1x128xf32> to vector<512x128xf32>
    %add3A_43 = arith.addf %add3A_38, %add3A_42 : vector<512x128xf32>
    %logistic3A = arith.negf %add3A_43 : vector<512x128xf32>
    %logistic3A_44 = math.exp %logistic3A : vector<512x128xf32>
    %logistic3A_45 = arith.constant 1.000000e+00 : f32
    %logistic3A_46 = vector.broadcast %logistic3A_45 : f32 to vector<512x128xf32>
    %logistic3A_47 = arith.addf %logistic3A_46, %logistic3A_44 : vector<512x128xf32>
    %logistic3A_48 = arith.divf %logistic3A_46, %logistic3A_47 : vector<512x128xf32>
    %slice3A_49 = vector.extract_strided_slice %get3A_22 {offsets = [0, 0, 0], sizes = [1, 128, 128], strides = [1, 1, 1]} : vector<2x128x128xf32> to vector<1x128x128xf32>
    %squeeze3A_50 = vector.shape_cast %slice3A_49 : vector<1x128x128xf32> to vector<128x128xf32>
    %dot_general3A_51 = arith.constant dense<0.000000e+00> : vector<512x128xf32>
    %dot_general3A_52 = tpu.matmul %get3A_1, %squeeze3A_50, %dot_general3A_51 {dimension_numbers = #tpu.dot_dimension_numbers<[1], [0], [0], [1], [0, 0, 1, 1], [], []>, transpose_lhs_hint = false} : vector<512x128xf32>, vector<128x128xf32>, vector<512x128xf32> -> vector<512x128xf32>
    %slice3A_53 = vector.extract_strided_slice %get3A_22 {offsets = [1, 0, 0], sizes = [1, 128, 128], strides = [1, 1, 1]} : vector<2x128x128xf32> to vector<1x128x128xf32>
    %squeeze3A_54 = vector.shape_cast %slice3A_53 : vector<1x128x128xf32> to vector<128x128xf32>
    %dot_general3A_55 = arith.constant dense<0.000000e+00> : vector<512x128xf32>
    %dot_general3A_56 = tpu.matmul %mul3A, %squeeze3A_54, %dot_general3A_55 {dimension_numbers = #tpu.dot_dimension_numbers<[1], [0], [0], [1], [0, 0, 1, 1], [], []>, transpose_lhs_hint = false} : vector<512x128xf32>, vector<128x128xf32>, vector<512x128xf32> -> vector<512x128xf32>
    %add3A_57 = arith.addf %dot_general3A_52, %dot_general3A_56 : vector<512x128xf32>
    %get3A_58 = arith.constant 0 : index
    %get3A_59 = arith.constant 0 : index
    %get3A_60 = vector.load %arg9[%get3A_58, %get3A_59] : memref<1x128xf32, #tpu.memory_space<vmem>>, vector<1x128xf32>
    %add3A_61 = vector.broadcast %get3A_60 : vector<1x128xf32> to vector<512x128xf32>
    %add3A_62 = arith.addf %add3A_57, %add3A_61 : vector<512x128xf32>
    %logistic3A_63 = arith.negf %add3A_62 : vector<512x128xf32>
    %logistic3A_64 = math.exp %logistic3A_63 : vector<512x128xf32>
    %logistic3A_65 = arith.constant 1.000000e+00 : f32
    %logistic3A_66 = vector.broadcast %logistic3A_65 : f32 to vector<512x128xf32>
    %logistic3A_67 = arith.addf %logistic3A_66, %logistic3A_64 : vector<512x128xf32>
    %logistic3A_68 = arith.divf %logistic3A_66, %logistic3A_67 : vector<512x128xf32>
    %mul3A_69 = arith.mulf %logistic3A_68, %get3A_1 : vector<512x128xf32>
    %slice3A_70 = vector.extract_strided_slice %get3A_26 {offsets = [0, 0, 0], sizes = [1, 128, 128], strides = [1, 1, 1]} : vector<2x128x128xf32> to vector<1x128x128xf32>
    %squeeze3A_71 = vector.shape_cast %slice3A_70 : vector<1x128x128xf32> to vector<128x128xf32>
    %dot_general3A_72 = arith.constant dense<0.000000e+00> : vector<512x128xf32>
    %dot_general3A_73 = tpu.matmul %mul3A_69, %squeeze3A_71, %dot_general3A_72 {dimension_numbers = #tpu.dot_dimension_numbers<[1], [0], [0], [1], [0, 0, 1, 1], [], []>, transpose_lhs_hint = false} : vector<512x128xf32>, vector<128x128xf32>, vector<512x128xf32> -> vector<512x128xf32>
    %slice3A_74 = vector.extract_strided_slice %get3A_26 {offsets = [1, 0, 0], sizes = [1, 128, 128], strides = [1, 1, 1]} : vector<2x128x128xf32> to vector<1x128x128xf32>
    %squeeze3A_75 = vector.shape_cast %slice3A_74 : vector<1x128x128xf32> to vector<128x128xf32>
    %dot_general3A_76 = arith.constant dense<0.000000e+00> : vector<512x128xf32>
    %dot_general3A_77 = tpu.matmul %mul3A, %squeeze3A_75, %dot_general3A_76 {dimension_numbers = #tpu.dot_dimension_numbers<[1], [0], [0], [1], [0, 0, 1, 1], [], []>, transpose_lhs_hint = false} : vector<512x128xf32>, vector<128x128xf32>, vector<512x128xf32> -> vector<512x128xf32>
    %add3A_78 = arith.addf %dot_general3A_73, %dot_general3A_77 : vector<512x128xf32>
    %get3A_79 = arith.constant 0 : index
    %get3A_80 = arith.constant 0 : index
    %get3A_81 = vector.load %arg11[%get3A_79, %get3A_80] : memref<1x128xf32, #tpu.memory_space<vmem>>, vector<1x128xf32>
    %add3A_82 = vector.broadcast %get3A_81 : vector<1x128xf32> to vector<512x128xf32>
    %add3A_83 = arith.addf %add3A_78, %add3A_82 : vector<512x128xf32>
    %max3A = arith.constant 0.000000e+00 : f32
    %max3A_84 = vector.broadcast %max3A : f32 to vector<512x128xf32>
    %max3A_85 = arith.maximumf %add3A_83, %max3A_84 : vector<512x128xf32>
    %sub3A = arith.constant 1.000000e+00 : f32
    %sub3A_86 = vector.broadcast %sub3A : f32 to vector<512x128xf32>
    %sub3A_87 = arith.subf %sub3A_86, %logistic3A_48 : vector<512x128xf32>
    %mul3A_88 = arith.mulf %sub3A_87, %get3A_1 : vector<512x128xf32>
    %mul3A_89 = arith.mulf %logistic3A_48, %max3A_85 : vector<512x128xf32>
    %add3A_90 = arith.addf %mul3A_88, %mul3A_89 : vector<512x128xf32>
    %slice3A_91 = vector.extract_strided_slice %get3A_30 {offsets = [0, 0, 0], sizes = [1, 128, 128], strides = [1, 1, 1]} : vector<2x128x128xf32> to vector<1x128x128xf32>
    %squeeze3A_92 = vector.shape_cast %slice3A_91 : vector<1x128x128xf32> to vector<128x128xf32>
    %dot_general3A_93 = arith.constant dense<0.000000e+00> : vector<512x128xf32>
    %dot_general3A_94 = tpu.matmul %add3A_90, %squeeze3A_92, %dot_general3A_93 {dimension_numbers = #tpu.dot_dimension_numbers<[1], [0], [0], [1], [0, 0, 1, 1], [], []>, transpose_lhs_hint = false} : vector<512x128xf32>, vector<128x128xf32>, vector<512x128xf32> -> vector<512x128xf32>
    %get3A_95 = arith.constant 0 : index
    %get3A_96 = arith.constant 0 : index
    %get3A_97 = vector.load %arg3[%get3A_95, %get3A_96] : memref<512x128xf32, #tpu.memory_space<vmem>>, vector<512x128xf32>
    %slice3A_98 = vector.extract_strided_slice %get3A_30 {offsets = [1, 0, 0], sizes = [1, 128, 128], strides = [1, 1, 1]} : vector<2x128x128xf32> to vector<1x128x128xf32>
    %squeeze3A_99 = vector.shape_cast %slice3A_98 : vector<1x128x128xf32> to vector<128x128xf32>
    %dot_general3A_100 = arith.constant dense<0.000000e+00> : vector<512x128xf32>
    %dot_general3A_101 = tpu.matmul %get3A_97, %squeeze3A_99, %dot_general3A_100 {dimension_numbers = #tpu.dot_dimension_numbers<[1], [0], [0], [1], [0, 0, 1, 1], [], []>, transpose_lhs_hint = false} : vector<512x128xf32>, vector<128x128xf32>, vector<512x128xf32> -> vector<512x128xf32>
    %add3A_102 = arith.addf %dot_general3A_94, %dot_general3A_101 : vector<512x128xf32>
    %get3A_103 = arith.constant 0 : index
    %get3A_104 = arith.constant 0 : index
    %get3A_105 = vector.load %arg13[%get3A_103, %get3A_104] : memref<1x128xf32, #tpu.memory_space<vmem>>, vector<1x128xf32>
    %add3A_106 = vector.broadcast %get3A_105 : vector<1x128xf32> to vector<512x128xf32>
    %add3A_107 = arith.addf %add3A_102, %add3A_106 : vector<512x128xf32>
    %max3A_108 = arith.constant 0.000000e+00 : f32
    %max3A_109 = vector.broadcast %max3A_108 : f32 to vector<512x128xf32>
    %max3A_110 = arith.maximumf %add3A_107, %max3A_109 : vector<512x128xf32>
    %get3A_111 = arith.constant 0 : index
    %get3A_112 = arith.constant 0 : index
    %get3A_113 = vector.load %arg14[%get3A_111, %get3A_112] : memref<1x128xf32, #tpu.memory_space<vmem>>, vector<1x128xf32>
    %get3A_114 = arith.constant 0 : index
    %get3A_115 = arith.constant 0 : index
    %get3A_116 = vector.load %arg15[%get3A_114, %get3A_115] : memref<1x128xf32, #tpu.memory_space<vmem>>, vector<1x128xf32>
    %reduce_sum3A = arith.constant dense<0.000000e+00> : vector<512xf32>
    %reduce_sum3A_117 = vector.multi_reduction <add>, %max3A_110, %reduce_sum3A [1] : vector<512x128xf32> to vector<512xf32>
    %broadcast_in_dim3A = vector.shape_cast %reduce_sum3A_117 : vector<512xf32> to vector<512x1xf32>
    %div3A = arith.constant 1.280000e+02 : f32
    %div3A_118 = vector.broadcast %div3A : f32 to vector<512x1xf32>
    %div3A_119 = arith.divf %broadcast_in_dim3A, %div3A_118 : vector<512x1xf32>
    %sub3A_120 = vector.broadcast %div3A_119 : vector<512x1xf32> to vector<512x128xf32>
    %sub3A_121 = arith.subf %max3A_110, %sub3A_120 : vector<512x128xf32>
    %sub3A_122 = vector.broadcast %div3A_119 : vector<512x1xf32> to vector<512x128xf32>
    %sub3A_123 = arith.subf %max3A_110, %sub3A_122 : vector<512x128xf32>
    %mul3A_124 = arith.mulf %sub3A_121, %sub3A_123 : vector<512x128xf32>
    %reduce_sum3A_125 = arith.constant dense<0.000000e+00> : vector<512xf32>
    %reduce_sum3A_126 = vector.multi_reduction <add>, %mul3A_124, %reduce_sum3A_125 [1] : vector<512x128xf32> to vector<512xf32>
    %broadcast_in_dim3A_127 = vector.shape_cast %reduce_sum3A_126 : vector<512xf32> to vector<512x1xf32>
    %div3A_128 = arith.constant 1.280000e+02 : f32
    %div3A_129 = vector.broadcast %div3A_128 : f32 to vector<512x1xf32>
    %div3A_130 = arith.divf %broadcast_in_dim3A_127, %div3A_129 : vector<512x1xf32>
    %sub3A_131 = vector.broadcast %div3A_119 : vector<512x1xf32> to vector<512x128xf32>
    %sub3A_132 = arith.subf %max3A_110, %sub3A_131 : vector<512x128xf32>
    %add3A_133 = arith.constant 9.99999974E-6 : f32
    %add3A_134 = vector.broadcast %add3A_133 : f32 to vector<512x1xf32>
    %add3A_135 = arith.addf %div3A_130, %add3A_134 : vector<512x1xf32>
    %rsqrt3A = math.rsqrt %add3A_135 : vector<512x1xf32>
    %mul3A_136 = vector.broadcast %rsqrt3A : vector<512x1xf32> to vector<512x128xf32>
    %mul3A_137 = arith.mulf %sub3A_132, %mul3A_136 : vector<512x128xf32>
    %mul3A_138 = vector.broadcast %get3A_113 : vector<1x128xf32> to vector<512x128xf32>
    %mul3A_139 = arith.mulf %mul3A_137, %mul3A_138 : vector<512x128xf32>
    %add3A_140 = vector.broadcast %get3A_116 : vector<1x128xf32> to vector<512x128xf32>
    %add3A_141 = arith.addf %mul3A_139, %add3A_140 : vector<512x128xf32>
    %swap3A = arith.constant 0 : index
    %swap3A_142 = arith.constant 0 : index
    %swap3A_143 = vector.load %arg16[%swap3A, %swap3A_142] : memref<512x128xf32, #tpu.memory_space<vmem>>, vector<512x128xf32>
    tpu.vector_store %arg16[%swap3A, %swap3A_142], %add3A_141 {strides = array<i32>} : memref<512x128xf32, #tpu.memory_space<vmem>>, vector<512x128xf32>,
    %mul3A_144 = arith.mulf %get3A_4, %add3A_141 : vector<512x128xf32>
    %swap3A_145 = arith.constant 0 : index
    %swap3A_146 = arith.constant 0 : index
    %swap3A_147 = vector.load %arg17[%swap3A_145, %swap3A_146] : memref<512x128xf32, #tpu.memory_space<vmem>>, vector<512x128xf32>
    tpu.vector_store %arg17[%swap3A_145, %swap3A_146], %mul3A_144 {strides = array<i32>} : memref<512x128xf32, #tpu.memory_space<vmem>>, vector<512x128xf32>,
    return
  }
  func.func @transform_0(%arg0: i32) -> (i32, i32) {
    %c0_i32 = arith.constant 0 : i32
    %c0_i32_0 = arith.constant 0 : i32
    return %arg0, %c0_i32 : i32, i32
  }
  func.func @transform_1(%arg0: i32) -> (i32, i32) {
    %c0_i32 = arith.constant 0 : i32
    %c0_i32_0 = arith.constant 0 : i32
    return %arg0, %c0_i32 : i32, i32
  }
  func.func @transform_2(%arg0: i32) -> (i32, i32) {
    %c0_i32 = arith.constant 0 : i32
    %c0_i32_0 = arith.constant 0 : i32
    return %arg0, %c0_i32 : i32, i32
  }
  func.func @transform_3(%arg0: i32) -> (i32, i32, i32) {
    %c0_i32 = arith.constant 0 : i32
    %c0_i32_0 = arith.constant 0 : i32
    %c0_i32_1 = arith.constant 0 : i32
    return %c0_i32, %arg0, %c0_i32_0 : i32, i32, i32
  }
  func.func @transform_4(%arg0: i32) -> (i32, i32) {
    %c0_i32 = arith.constant 0 : i32
    %c0_i32_0 = arith.constant 0 : i32
    return %arg0, %c0_i32 : i32, i32
  }
  func.func @transform_5(%arg0: i32) -> (i32, i32, i32) {
    %c0_i32 = arith.constant 0 : i32
    %c0_i32_0 = arith.constant 0 : i32
    %c0_i32_1 = arith.constant 0 : i32
    %c0_i32_2 = arith.constant 0 : i32
    return %c0_i32, %c0_i32_0, %c0_i32_1 : i32, i32, i32
  }
  func.func @transform_6(%arg0: i32) -> (i32, i32) {
    %c0_i32 = arith.constant 0 : i32
    %c0_i32_0 = arith.constant 0 : i32
    %c0_i32_1 = arith.constant 0 : i32
    return %c0_i32, %c0_i32_0 : i32, i32
  }
  func.func @transform_7(%arg0: i32) -> (i32, i32, i32) {
    %c0_i32 = arith.constant 0 : i32
    %c0_i32_0 = arith.constant 0 : i32
    %c0_i32_1 = arith.constant 0 : i32
    %c0_i32_2 = arith.constant 0 : i32
    return %c0_i32, %c0_i32_0, %c0_i32_1 : i32, i32, i32
  }
  func.func @transform_8(%arg0: i32) -> (i32, i32) {
    %c0_i32 = arith.constant 0 : i32
    %c0_i32_0 = arith.constant 0 : i32
    %c0_i32_1 = arith.constant 0 : i32
    return %c0_i32, %c0_i32_0 : i32, i32
  }
  func.func @transform_9(%arg0: i32) -> (i32, i32, i32) {
    %c0_i32 = arith.constant 0 : i32
    %c0_i32_0 = arith.constant 0 : i32
    %c0_i32_1 = arith.constant 0 : i32
    %c0_i32_2 = arith.constant 0 : i32
    return %c0_i32, %c0_i32_0, %c0_i32_1 : i32, i32, i32
  }
  func.func @transform_10(%arg0: i32) -> (i32, i32) {
    %c0_i32 = arith.constant 0 : i32
    %c0_i32_0 = arith.constant 0 : i32
    %c0_i32_1 = arith.constant 0 : i32
    return %c0_i32, %c0_i32_0 : i32, i32
  }
  func.func @transform_11(%arg0: i32) -> (i32, i32, i32) {
    %c0_i32 = arith.constant 0 : i32
    %c0_i32_0 = arith.constant 0 : i32
    %c0_i32_1 = arith.constant 0 : i32
    %c0_i32_2 = arith.constant 0 : i32
    return %c0_i32, %c0_i32_0, %c0_i32_1 : i32, i32, i32
  }
  func.func @transform_12(%arg0: i32) -> (i32, i32) {
    %c0_i32 = arith.constant 0 : i32
    %c0_i32_0 = arith.constant 0 : i32
    %c0_i32_1 = arith.constant 0 : i32
    return %c0_i32, %c0_i32_0 : i32, i32
  }
  func.func @transform_13(%arg0: i32) -> (i32, i32) {
    %c0_i32 = arith.constant 0 : i32
    %c0_i32_0 = arith.constant 0 : i32
    %c0_i32_1 = arith.constant 0 : i32
    return %c0_i32, %c0_i32_0 : i32, i32
  }
  func.func @transform_14(%arg0: i32) -> (i32, i32) {
    %c0_i32 = arith.constant 0 : i32
    %c0_i32_0 = arith.constant 0 : i32
    %c0_i32_1 = arith.constant 0 : i32
    return %c0_i32, %c0_i32_0 : i32, i32
  }
  func.func @transform_15(%arg0: i32) -> (i32, i32) {
    %c0_i32 = arith.constant 0 : i32
    %c0_i32_0 = arith.constant 0 : i32
    return %arg0, %c0_i32 : i32, i32
  }
  func.func @transform_16(%arg0: i32) -> (i32, i32) {
    %c0_i32 = arith.constant 0 : i32
    %c0_i32_0 = arith.constant 0 : i32
    return %arg0, %c0_i32 : i32, i32
  }
}

module attributes {stable_mosaic.version = 14 : i64} {
  func.func @_final_body(%arg0: i32, %arg1: memref<512x128xf32, #tpu.memory_space<vmem>>, %arg2: memref<512x128xf32, #tpu.memory_space<vmem>>, %arg3: memref<2x128x128xf32, #tpu.memory_space<vmem>>, %arg4: memref<1x128xf32, #tpu.memory_space<vmem>>, %arg5: memref<1x128xf32, #tpu.memory_space<vmem>>, %arg6: memref<1x128xf32, #tpu.memory_space<vmem>>, %arg7: memref<128x128xf32, #tpu.memory_space<vmem>>, %arg8: memref<1x128xf32, #tpu.memory_space<vmem>>, %arg9: memref<512x128xf32, #tpu.memory_space<vmem>>) attributes {dimension_semantics = [#tpu.dimension_semantics<arbitrary>], iteration_bounds = array<i64: 20>, scalar_prefetch = 0 : i64, scratch_operands = 0 : i64, tpu.core_type = #tpu.core_type<tc>, window_params = [{transform_indices = @transform_0, window_bounds = array<i64: 512, 128>}, {transform_indices = @transform_1, window_bounds = array<i64: 512, 128>}, {pipeline_mode = #tpu.pipeline_mode<synchronous>, transform_indices = @transform_2, window_bounds = array<i64: 2, 128, 128>}, {pipeline_mode = #tpu.pipeline_mode<synchronous>, transform_indices = @transform_3, window_bounds = array<i64: 1, 128>}, {pipeline_mode = #tpu.pipeline_mode<synchronous>, transform_indices = @transform_4, window_bounds = array<i64: 1, 128>}, {pipeline_mode = #tpu.pipeline_mode<synchronous>, transform_indices = @transform_5, window_bounds = array<i64: 1, 128>}, {pipeline_mode = #tpu.pipeline_mode<synchronous>, transform_indices = @transform_6, window_bounds = array<i64: 128, 128>}, {pipeline_mode = #tpu.pipeline_mode<synchronous>, transform_indices = @transform_7, window_bounds = array<i64: 1, 128>}, {transform_indices = @transform_8, window_bounds = array<i64: 512, 128>}]} {
    %get3A = arith.constant 0 : index
    %get3A_0 = arith.constant 0 : index
    %get3A_1 = arith.constant 0 : index
    %get3A_2 = vector.load %arg3[%get3A, %get3A_0, %get3A_1] : memref<2x128x128xf32, #tpu.memory_space<vmem>>, vector<2x128x128xf32>
    %get3A_3 = arith.constant 0 : index
    %get3A_4 = arith.constant 0 : index
    %get3A_5 = vector.load %arg1[%get3A_3, %get3A_4] : memref<512x128xf32, #tpu.memory_space<vmem>>, vector<512x128xf32>
    %slice3A = vector.extract_strided_slice %get3A_2 {offsets = [0, 0, 0], sizes = [1, 128, 128], strides = [1, 1, 1]} : vector<2x128x128xf32> to vector<1x128x128xf32>
    %squeeze3A = vector.shape_cast %slice3A : vector<1x128x128xf32> to vector<128x128xf32>
    %dot_general3A = arith.constant dense<0.000000e+00> : vector<512x128xf32>
    %dot_general3A_6 = tpu.matmul %get3A_5, %squeeze3A, %dot_general3A {dimension_numbers = #tpu.dot_dimension_numbers<[1], [0], [0], [1], [0, 0, 1, 1], [], []>, transpose_lhs_hint = false} : vector<512x128xf32>, vector<128x128xf32>, vector<512x128xf32> -> vector<512x128xf32>
    %get3A_7 = arith.constant 0 : index
    %get3A_8 = arith.constant 0 : index
    %get3A_9 = vector.load %arg2[%get3A_7, %get3A_8] : memref<512x128xf32, #tpu.memory_space<vmem>>, vector<512x128xf32>
    %slice3A_10 = vector.extract_strided_slice %get3A_2 {offsets = [1, 0, 0], sizes = [1, 128, 128], strides = [1, 1, 1]} : vector<2x128x128xf32> to vector<1x128x128xf32>
    %squeeze3A_11 = vector.shape_cast %slice3A_10 : vector<1x128x128xf32> to vector<128x128xf32>
    %dot_general3A_12 = arith.constant dense<0.000000e+00> : vector<512x128xf32>
    %dot_general3A_13 = tpu.matmul %get3A_9, %squeeze3A_11, %dot_general3A_12 {dimension_numbers = #tpu.dot_dimension_numbers<[1], [0], [0], [1], [0, 0, 1, 1], [], []>, transpose_lhs_hint = false} : vector<512x128xf32>, vector<128x128xf32>, vector<512x128xf32> -> vector<512x128xf32>
    %add3A = arith.addf %dot_general3A_6, %dot_general3A_13 : vector<512x128xf32>
    %get3A_14 = arith.constant 0 : index
    %get3A_15 = arith.constant 0 : index
    %get3A_16 = vector.load %arg4[%get3A_14, %get3A_15] : memref<1x128xf32, #tpu.memory_space<vmem>>, vector<1x128xf32>
    %add3A_17 = vector.broadcast %get3A_16 : vector<1x128xf32> to vector<512x128xf32>
    %add3A_18 = arith.addf %add3A, %add3A_17 : vector<512x128xf32>
    %max3A = arith.constant 0.000000e+00 : f32
    %max3A_19 = vector.broadcast %max3A : f32 to vector<512x128xf32>
    %max3A_20 = arith.maximumf %add3A_18, %max3A_19 : vector<512x128xf32>
    %get3A_21 = arith.constant 0 : index
    %get3A_22 = arith.constant 0 : index
    %get3A_23 = vector.load %arg5[%get3A_21, %get3A_22] : memref<1x128xf32, #tpu.memory_space<vmem>>, vector<1x128xf32>
    %get3A_24 = arith.constant 0 : index
    %get3A_25 = arith.constant 0 : index
    %get3A_26 = vector.load %arg6[%get3A_24, %get3A_25] : memref<1x128xf32, #tpu.memory_space<vmem>>, vector<1x128xf32>
    %reduce_sum3A = arith.constant dense<0.000000e+00> : vector<512xf32>
    %reduce_sum3A_27 = vector.multi_reduction <add>, %max3A_20, %reduce_sum3A [1] : vector<512x128xf32> to vector<512xf32>
    %broadcast_in_dim3A = vector.shape_cast %reduce_sum3A_27 : vector<512xf32> to vector<512x1xf32>
    %div3A = arith.constant 1.280000e+02 : f32
    %div3A_28 = vector.broadcast %div3A : f32 to vector<512x1xf32>
    %div3A_29 = arith.divf %broadcast_in_dim3A, %div3A_28 : vector<512x1xf32>
    %sub3A = vector.broadcast %div3A_29 : vector<512x1xf32> to vector<512x128xf32>
    %sub3A_30 = arith.subf %max3A_20, %sub3A : vector<512x128xf32>
    %sub3A_31 = vector.broadcast %div3A_29 : vector<512x1xf32> to vector<512x128xf32>
    %sub3A_32 = arith.subf %max3A_20, %sub3A_31 : vector<512x128xf32>
    %mul3A = arith.mulf %sub3A_30, %sub3A_32 : vector<512x128xf32>
    %reduce_sum3A_33 = arith.constant dense<0.000000e+00> : vector<512xf32>
    %reduce_sum3A_34 = vector.multi_reduction <add>, %mul3A, %reduce_sum3A_33 [1] : vector<512x128xf32> to vector<512xf32>
    %broadcast_in_dim3A_35 = vector.shape_cast %reduce_sum3A_34 : vector<512xf32> to vector<512x1xf32>
    %div3A_36 = arith.constant 1.280000e+02 : f32
    %div3A_37 = vector.broadcast %div3A_36 : f32 to vector<512x1xf32>
    %div3A_38 = arith.divf %broadcast_in_dim3A_35, %div3A_37 : vector<512x1xf32>
    %sub3A_39 = vector.broadcast %div3A_29 : vector<512x1xf32> to vector<512x128xf32>
    %sub3A_40 = arith.subf %max3A_20, %sub3A_39 : vector<512x128xf32>
    %add3A_41 = arith.constant 9.99999974E-6 : f32
    %add3A_42 = vector.broadcast %add3A_41 : f32 to vector<512x1xf32>
    %add3A_43 = arith.addf %div3A_38, %add3A_42 : vector<512x1xf32>
    %rsqrt3A = math.rsqrt %add3A_43 : vector<512x1xf32>
    %mul3A_44 = vector.broadcast %rsqrt3A : vector<512x1xf32> to vector<512x128xf32>
    %mul3A_45 = arith.mulf %sub3A_40, %mul3A_44 : vector<512x128xf32>
    %mul3A_46 = vector.broadcast %get3A_23 : vector<1x128xf32> to vector<512x128xf32>
    %mul3A_47 = arith.mulf %mul3A_45, %mul3A_46 : vector<512x128xf32>
    %add3A_48 = vector.broadcast %get3A_26 : vector<1x128xf32> to vector<512x128xf32>
    %add3A_49 = arith.addf %mul3A_47, %add3A_48 : vector<512x128xf32>
    %get3A_50 = arith.constant 0 : index
    %get3A_51 = arith.constant 0 : index
    %get3A_52 = vector.load %arg7[%get3A_50, %get3A_51] : memref<128x128xf32, #tpu.memory_space<vmem>>, vector<128x128xf32>
    %dot_general3A_53 = arith.constant dense<0.000000e+00> : vector<512x128xf32>
    %dot_general3A_54 = tpu.matmul %add3A_49, %get3A_52, %dot_general3A_53 {dimension_numbers = #tpu.dot_dimension_numbers<[1], [0], [0], [1], [0, 0, 1, 1], [], []>, transpose_lhs_hint = false} : vector<512x128xf32>, vector<128x128xf32>, vector<512x128xf32> -> vector<512x128xf32>
    %get3A_55 = arith.constant 0 : index
    %get3A_56 = arith.constant 0 : index
    %get3A_57 = vector.load %arg8[%get3A_55, %get3A_56] : memref<1x128xf32, #tpu.memory_space<vmem>>, vector<1x128xf32>
    %add3A_58 = vector.broadcast %get3A_57 : vector<1x128xf32> to vector<512x128xf32>
    %add3A_59 = arith.addf %dot_general3A_54, %add3A_58 : vector<512x128xf32>
    %swap3A = arith.constant 0 : index
    %swap3A_60 = arith.constant 0 : index
    %swap3A_61 = vector.load %arg9[%swap3A, %swap3A_60] : memref<512x128xf32, #tpu.memory_space<vmem>>, vector<512x128xf32>
    tpu.vector_store %arg9[%swap3A, %swap3A_60], %add3A_59 {strides = array<i32>} : memref<512x128xf32, #tpu.memory_space<vmem>>, vector<512x128xf32>,
    return
  }
  func.func @transform_0(%arg0: i32) -> (i32, i32) {
    %c0_i32 = arith.constant 0 : i32
    %c0_i32_0 = arith.constant 0 : i32
    return %arg0, %c0_i32 : i32, i32
  }
  func.func @transform_1(%arg0: i32) -> (i32, i32) {
    %c0_i32 = arith.constant 0 : i32
    %c0_i32_0 = arith.constant 0 : i32
    return %arg0, %c0_i32 : i32, i32
  }
  func.func @transform_2(%arg0: i32) -> (i32, i32, i32) {
    %c0_i32 = arith.constant 0 : i32
    %c0_i32_0 = arith.constant 0 : i32
    %c0_i32_1 = arith.constant 0 : i32
    %c0_i32_2 = arith.constant 0 : i32
    return %c0_i32, %c0_i32_0, %c0_i32_1 : i32, i32, i32
  }
  func.func @transform_3(%arg0: i32) -> (i32, i32) {
    %c0_i32 = arith.constant 0 : i32
    %c0_i32_0 = arith.constant 0 : i32
    %c0_i32_1 = arith.constant 0 : i32
    return %c0_i32, %c0_i32_0 : i32, i32
  }
  func.func @transform_4(%arg0: i32) -> (i32, i32) {
    %c0_i32 = arith.constant 0 : i32
    %c0_i32_0 = arith.constant 0 : i32
    %c0_i32_1 = arith.constant 0 : i32
    return %c0_i32, %c0_i32_0 : i32, i32
  }
  func.func @transform_5(%arg0: i32) -> (i32, i32) {
    %c0_i32 = arith.constant 0 : i32
    %c0_i32_0 = arith.constant 0 : i32
    %c0_i32_1 = arith.constant 0 : i32
    return %c0_i32, %c0_i32_0 : i32, i32
  }
  func.func @transform_6(%arg0: i32) -> (i32, i32) {
    %c0_i32 = arith.constant 0 : i32
    %c0_i32_0 = arith.constant 0 : i32
    %c0_i32_1 = arith.constant 0 : i32
    return %c0_i32, %c0_i32_0 : i32, i32
  }
  func.func @transform_7(%arg0: i32) -> (i32, i32) {
    %c0_i32 = arith.constant 0 : i32
    %c0_i32_0 = arith.constant 0 : i32
    %c0_i32_1 = arith.constant 0 : i32
    return %c0_i32, %c0_i32_0 : i32, i32
  }
  func.func @transform_8(%arg0: i32) -> (i32, i32) {
    %c0_i32 = arith.constant 0 : i32
    %c0_i32_0 = arith.constant 0 : i32
    return %arg0, %c0_i32 : i32, i32
  }
}

</mosaic_0001>

<sc_bundles>
// kernel: closed_call.24.cloned.1.call-start
scs
__scs_entry_jumppad:
0x0: {  	(pc) =	sbr.rel $0x88, $3  }
0x1: {  	(tag) =	ssettag $0x0;
	lr =	simm.s32 $0x1  }
0x2: {  	[smem:$0x3F87] =	sst lr;
	_ =	strace $0xD0000000  }
0x3: {  	_ = 	snop  }
0x4: {  	_ = 	snop  }
0x5: {  	_ = 	snop  }
0x6: {  	_ = 	snop  }
0x7: {  	_ = 	snop  }
__scs_overlays_trampoline_lowered:
0x8: {  	[smem:$0x3F96] =	sst s0  }
0x9: {  	[smem:$0x3F97] =	sst s1  }
0xa: {  	[smem:$0x3F98] =	sst s2  }
0xb: {  	[smem:$0x3F99] =	sst s3  }
0xc: {  	[smem:$0x3F9A] =	sst s4  }
0xd: {  	[smem:$0x3F9B] =	sst s5  }
0xe: {  	[smem:$0x3F9C] =	sst s6  }
0xf: {  	[smem:$0x3F9D] =	sst s7  }
0x10: {  	[smem:$0x3F9E] =	sst s8  }
0x11: {  	[smem:$0x3F9F] =	sst s9;
	s0 =	simm.s32 @!p0 $0x0  }
0x12: {  	s1 =	sld [smem:$0x3F85];
	s0 =	simm.s32 @p0 $0x1  }
0x13: {  	[smem:$0x3FA0] =	sst s0;
	s0 =	simm.s32 @!p1 $0x0  }
0x14: {  	s2 =	sld [smem:$0x3F84];
	s0 =	simm.s32 @p1 $0x1  }
0x15: {  	[smem:$0x3FA1] =	sst s0;
	s0 =	simm.s32 @!p2 $0x0  }
0x16: {  	s3 =	sld [smem:$0x3FDB];
	s0 =	simm.s32 @p2 $0x1  }
0x17: {  	s4 =	simm.s32 $0x1BF5;
	[smem:$0x3FA3] =	sst s0  }
0x18: {  	s0 =	sld [smem:$0x3F86];
	_ =	swait.ge [sflag:s4], $0x0  }
0x19: {  	s7 =	sld [smem:$0x3F87]  }
0x1a: {  	s8 =	sadd.s32 $0xFFFFE003, lr  }
0x1b: {  	s9 =	sadd.s32 $0xFFFFFEF7, lr;
	s5 =	simm.s32 $0xFFFFFFFF;
	p2 =	slt.u32 s8, $0xFFFFF086  }
0x1c: {  	p1 =	slt.u32 s9, $0xF7A;
	s5 =	simm.s32 @!p2 $0x0  }
0x1d: {  	s5 =	simm.s32 @p1 $0x1;
	p0 =	seq.s32 s7, s2  }
0x1e: {  	s7 =	smul.u32 @!p0 $0xF7A, s2;
	p2 =	seq.s32 @!p0 s5, $0x0  }
0x1f: {  	s9 =	smul.u32 $0xF7A, s1;
	s8 =	simm.s32 @!p0 $0x1BF5;
	p2 =	por !p2, p0  }
0x20: {  	[sflag:s8] =	ssyncset.s32 @!p0 $0xFFFFF086;
	s6 =	sadd.s32 @!p0 s3, s7;
	s7 =	simm.s32 @!p0 $0x108  }
0x21: {  	s3 =	sadd.s32 s3, s9;
	s6 =	sadd.s32 @!p0 $0x88, s6;
	s7 =	simm.s32 @p2 $0x1082  }
0x22: {  	[simem:s7], [sflag:s8] =	dma.local @!p0 [hbm:s6], $0xF7A  }
0x23: {  	s9 =	sor.u32 $0xD0000000, s2;
	s6 =	simm.s32 $0x108;
	_ =	swait.ge @!p0 [sflag:s8], $0x0  }
0x24: {  	s3 =	sadd.s32 $0x88, s3;
	s6 =	simm.s32 @!p1 $0x1082;
	[sflag:s4] =	ssyncset.s32 $0xFFFFF086  }
0x25: {  	[simem:s6], [sflag:s4] =	dma.local [hbm:s3], $0xF7A  }
0x26: {  	[smem:$0x3F87] =	sst s1;
	(tag) =	ssettag s2;
	_ =	strace s9  }
0x27: {  	s1 =	sld [smem:$0x3F97]  }
0x28: {  	s2 =	sld [smem:$0x3F98]  }
0x29: {  	s4 =	sld [smem:$0x3F9A]  }
0x2a: {  	p0 =	seq.s32 s5, $0x0;
	s5 =	sld [smem:$0x3F9B]  }
0x2b: {  	s6 =	sld [smem:$0x3F9C]  }
0x2c: {  	s7 =	sld [smem:$0x3F9D]  }
0x2d: {  	s3 =	simm.s32 $0x108;
	s8 =	sld [smem:$0x3F9E]  }
0x2e: {  	s3 =	simm.s32 @!p0 $0x1082;
	s9 =	sld [smem:$0x3F9F]  }
0x2f: {  	lr =	sadd.s32 s0, s3;
	s0 =	sld [smem:$0x3F96]  }
0x30: {  	s3 =	sld [smem:$0x3F99]  }
0x31: {  	[smem:$0x3FA2] =	sst s10  }
0x32: {  	s10 =	sld [smem:$0x3FA0];
	_ =	sdelay $0x3  }
0x33: {  	p0 =	seq.s32 s10, $0x1;
	s10 =	sld [smem:$0x3FA2];
	_ =	sdelay $0x3  }
0x34: {  	[smem:$0x3FA2] =	sst s10  }
0x35: {  	s10 =	sld [smem:$0x3FA1];
	_ =	sdelay $0x3  }
0x36: {  	p1 =	seq.s32 s10, $0x1;
	s10 =	sld [smem:$0x3FA2];
	_ =	sdelay $0x3  }
0x37: {  	[smem:$0x3FA2] =	sst s10  }
0x38: {  	s10 =	sld [smem:$0x3FA3]  }
0x39: {  	_ = 	snop;
	(pc) =	sbr.ind lr, $3  }
0x3a: {  	_ = 	snop  }
0x3b: {  	_ = 	snop  }
0x3c: {  	p2 =	seq.s32 s10, $0x1;
	s10 =	sld [smem:$0x3FA2]  }
0x3d: {  	_ =	shalt  }
0x3e: {  	_ =	shalt  }
0x3f: {  	_ =	shalt  }
0x40: {  	_ =	shalt  }
0x41: {  	_ =	shalt  }
0x42: {  	_ =	shalt  }
0x43: {  	_ =	shalt  }
0x44: {  	_ =	shalt  }
0x45: {  	_ =	shalt  }
0x46: {  	_ =	shalt  }
0x47: {  	_ =	shalt  }
0x48: {  	_ =	shalt  }
0x49: {  	_ =	shalt  }
0x4a: {  	_ =	shalt  }
0x4b: {  	_ =	shalt  }
0x4c: {  	_ =	shalt  }
0x4d: {  	_ =	shalt  }
0x4e: {  	_ =	shalt  }
0x4f: {  	_ =	shalt  }
0x50: {  	_ =	shalt  }
0x51: {  	_ =	shalt  }
0x52: {  	_ =	shalt  }
0x53: {  	_ =	shalt  }
0x54: {  	_ =	shalt  }
0x55: {  	_ =	shalt  }
0x56: {  	_ =	shalt  }
0x57: {  	_ =	shalt  }
0x58: {  	_ =	shalt  }
0x59: {  	_ =	shalt  }
0x5a: {  	_ =	shalt  }
0x5b: {  	_ =	shalt  }
0x5c: {  	_ =	shalt  }
0x5d: {  	_ =	shalt  }
0x5e: {  	_ =	shalt  }
0x5f: {  	_ =	shalt  }
0x60: {  	_ =	shalt  }
0x61: {  	_ =	shalt  }
0x62: {  	_ =	shalt  }
0x63: {  	_ =	shalt  }
0x64: {  	_ =	shalt  }
0x65: {  	_ =	shalt  }
0x66: {  	_ =	shalt  }
0x67: {  	_ =	shalt  }
0x68: {  	_ =	shalt  }
0x69: {  	_ =	shalt  }
0x6a: {  	_ =	shalt  }
0x6b: {  	_ =	shalt  }
0x6c: {  	_ =	shalt  }
0x6d: {  	_ =	shalt  }
0x6e: {  	_ =	shalt  }
0x6f: {  	_ =	shalt  }
0x70: {  	_ =	shalt  }
0x71: {  	_ =	shalt  }
0x72: {  	_ =	shalt  }
0x73: {  	_ =	shalt  }
0x74: {  	_ =	shalt  }
0x75: {  	_ =	shalt  }
0x76: {  	_ =	shalt  }
0x77: {  	_ =	shalt  }
0x78: {  	_ =	shalt  }
0x79: {  	_ =	shalt  }
0x7a: {  	_ =	shalt  }
0x7b: {  	_ =	shalt  }
0x7c: {  	_ =	shalt  }
0x7d: {  	_ =	shalt  }
0x7e: {  	_ =	shalt  }
0x7f: {  	_ =	shalt  }
0x80: {  	_ =	shalt  }
0x81: {  	_ =	shalt  }
0x82: {  	_ =	shalt  }
0x83: {  	_ =	shalt  }
0x84: {  	_ =	shalt  }
0x85: {  	_ =	shalt  }
0x86: {  	_ =	shalt  }
0x87: {  	_ =	shalt  }
.Lfunc_end0:
.L_simem_size_0:
called_computation_lowered:
.L_overlay_start_0:
0x88: {  	s2 =	sld [smem:$0x3FD9]  }
0x89: {  	s3 =	sld [smem:$0x3FFE];
	_ =	sdelay $0x1  }
0x8a: {  	s1 =	srdreg.scid  }
0x8b: {  	s0 =	sand.u32 $0x1, s1  }
0x8c: {  	s16 =	sshll.u32 s0, $0xA;
	s2 =	sadd.s32 s3, s2  }
0x8d: {  	s2 =	sadd.s32 s2, s16  }
0x8e: {  	[smem:$0x3FAE] =	sst s2  }
0x8f: {  	_ = 	snop  }
0x90: {  	(tm) =	ssettm $0x1  }
0x91: {  	s17 =	sld [smem:$0x3FFB];
	_ =	sdelay $0x3  }
0x92: {  	_ =	strace s17  }
0x93: {  	s2 =	sld [smem:$0x3FFC];
	_ =	sdelay $0x3  }
0x94: {  	_ =	strace s2  }
0x95: {  	s2 =	sld [smem:$0x3FFD];
	_ =	sdelay $0x3  }
0x96: {  	_ =	strace s2  }
0x97: {  	_ =	strace $0x8FFFFFFF  }
0x98: {  	s18 =	sld [smem:$0x3FDB];
	_ =	sdelay $0x1  }
0x99: {  	s19 =	simm.s32 $_scs_section_size  }
0x9a: {  	s4 =	simm.s32 $_size__tile_overlayer_lowered;
	s5 =	simm.s32 $_tile_overlayer_lowered  }
0x9b: {  	s22 =	simm.s32 $0x1BFF;
	s21 =	sshll.u32 s5, $0x1;
	s2 =	sadd.s32 s19, s18  }
0x9c: {  	s6 =	simm.s32 $0x0;
	s20 =	sshll.u32 s4, $0x1;
	s4 =	sadd.s32 s21, s2  }
0x9d: {  	[timem:s6], [sflag:s22] =	dma.local [hbm:s4], s20  }
0x9e: {  	_ =	swait.ge [sflag:s22], s20  }
0x9f: {  	s3 =	ssub.s32 $0x0, s20;
	[sflag:s22] =	ssyncset.done $0x0  }
0xa0: {  	[sflag:s22] =	ssyncadd.s32 s3;
	_ =	sdelay $0x1  }
0xa1: {  	s23 =	simm.s32 $0x1B8B  }
0xa2: {  	_ =	swait.ge [sflag:s23], $0x1  }
0xa3: {  	[sflag:s23] =	ssyncset.done $0x0  }
0xa4: {  	s25 =	simm.s32 $0x1B8E;
	s24 =	sld [smem:$0x3FFE];
	[sflag:s23] =	ssyncadd.s32 $0xFFFFFFFF  }
0xa5: {  	s26 =	simm.s32 $execute0_lowered;
	[smem:$0x3FD2] =	sst s25  }
0xa6: {  	s4 =	sshll.u32 s26, $0x1;
	_ =	strace $0x80000049;
	[dreg:$0x1] =	wrdreg $0xFFFFFFFF  }
0xa7: {  	s28 =	simm.s32 $_size_execute0_lowered;
	s2 =	sadd.s32 s2, s4;
	[dreg:$0x0] =	wrdreg $0x0  }
0xa8: {  	s4 =	sshll.u32 s28, $0x1;
	[dreg:$0x2] =	wrdreg s2  }
0xa9: {  	[dreg:$0x3] =	wrdreg s4  }
0xaa: {  	[dreg:$0x4] =	wrdreg $0xC0  }
0xab: {  	_ =	task [dreg:s6], $0x5FFFF  }
0xac: {  	[dreg:$0x1] =	wrdreg $0xFFFFFFFF  }
0xad: {  	[dreg:$0x0] =	wrdreg $0x60  }
0xae: {  	[dreg:$0x2] =	wrdreg s24  }
0xaf: {  	[dreg:$0x3] =	wrdreg $0x88000  }
0xb0: {  	[dreg:$0x4] =	wrdreg $0x9  }
0xb1: {  	_ =	task.clear_ibuf [dreg:s6], $0x5FFFF;
	_ =	strace $0x90000049  }
0xb2: {  	s29 =	simm.s32 $0x9;
	_ =	strace $0x8000004B  }
0xb3: {  	_ =	swait.ge [sflag:s29], $0x1  }
0xb4: {  	[sflag:s29] =	ssyncadd.s32 $0xFFFFFFFF  }
0xb5: {  	_ =	strace $0x9000004B  }
0xb6: {  	_ =	sfence  }
0xb7: {  	s30 =	sld [smem:$0x0];
	_ =	sdelay $0x2  }
0xb8: {  	s31 =	sshll.u32 s1, $0xD;
	s1 =	sshrl.u32 s1, $0x2  }
0xb9: {  	s3 =	sand.u32 $0x4000, s31;
	s1 =	sadd.s32 s1, s30  }
0xba: {  	s0 =	sor.u32 s3, s0;
	s1 =	sshll.u32 s1, $0x11  }
0xbb: {  	s0 =	sor.u32 s1, s0  }
0xbc: {  	s0 =	sadd.s32 $0x8F2B, s0  }
0xbd: {  	[sflag:s0] =	ssyncadd.remote.s32 $0x1  }
0xbe: {  	_ =	sfence.sel $0xFFFF  }
0xbf: {  	[dreg:$0x0] =	wrdreg $0xFFFFFFFF;
	(pc) =	sbr.abs _section_cstart, $3  }
0xc0: {  	[dreg:$0x1] =	wrdreg $0xFFFFFFFF  }
0xc1: {  	_ =	task.clear_ibuf [dreg:s6], $0x2FFFF;
	_ =	strace $0x9FFFFFFF  }
0xc2: {  	(tm) =	ssettm $0x7FFFFFFF  }
0xc3: {  	_ =	shalt  }
tec
execute0_lowered:
.L_overlay_start_1:
0x0: {  	(tag) =	ssettag $0x1  }
0x1: {  	s0 =	srdreg.scid;
	s5 =	rddreg [dreg:$0x0]  }
0x2: {  	s9 =	stileid.u32;
	s2 =	rddreg [dreg:$0x1];
	s28 =	simm.s32 $0x1  }
0x3: {  	s29 =	simm.s32 $0x100;
	s30 =	simm.s32 $0x2;
	s31 =	simm.s32 $0x480  }
0x4: {  	s11 =	simm.s32 $0x680;
	s12 =	simm.s32 $0x380;
	s1 =	smul.u32 $0x50, s9  }
0x5: {  	s13 =	simm.s32 $0x700;
	s0 =	sand.u32 $0x1, s0;
	s6 =	smul.u32 $0x50000, s9  }
0x6: {  	s7 =	sadd.s32 $0xB9400, s5;
	s15 =	smul.u32 $0x14000, s9;
	s3 =	sxor.u32 $0x1, s0  }
0x7: {  	s14 =	ssub.s32 $0x2, s0;
	s4 =	smul.u32 s1, s3;
	s1 =	sadd.s32 $0x500, s1  }
0x8: {  	s3 =	simm.s32 $0x0;
	s8 =	sshrl.u32 s14, $0x1;
	s6 =	sshrl.u32 s6, $0x2  }
0x9: {  	s9 =	sadd.s32 $0x4000, s15;
	s22 =	sadd.s32 $0x8000, s15;
	s1 =	smul.u32 s0, s1  }
0xa: {  	s25 =	sadd.s32 $0xC000, s15;
	[smem:$0x7FF] =	sst s3;
	s0 =	smul.u32 $0x140000, s0  }
0xb: {  	s8 =	ssub.s32 s14, s8;
	s24 =	sadd.s32 s22, s2;
	s14 =	simm.s32 $0x780  }
0xc: {  	_ =	strace $0x8000004A;
	s8 =	smax.u32 s8, $0x1;
	[dreg:$0xc] =	wrdreg s24  }
0xd: {  	s24 =	simm.s32 $0x400;
	s1 =	sadd.s32 s4, s1;
	s4 =	sadd.s32 $0x91400, s5  }
0xe: {  	[dreg:$0x4] =	wrdreg s8;
	s19 =	sadd.s32 s0, s15;
	s20 =	sadd.s32 s0, s9  }
0xf: {  	s9 =	sadd.s32 s9, s2;
	s23 =	sadd.s32 s0, s22;
	s26 =	sadd.s32 s0, s25  }
0x10: {  	s22 =	simm.s32 $0x800;
	s1 =	sshll.u32 s1, $0x4;
	s8 =	sshrl.u32 s19, $0x3  }
0x11: {  	s21 =	sshrl.u32 s20, $0x3;
	[dreg:$0xa] =	wrdreg s9;
	s9 =	sadd.s32 s25, s2  }
0x12: {  	s25 =	simm.s32 $0x80;
	s8 =	sadd.s32 s7, s8;
	[dreg:$0xe] =	wrdreg s9  }
0x13: {  	s1 =	sadd.s32 s1, s5;
	s5 =	sadd.s32 s6, s2;
	[dreg:$0x9] =	wrdreg s8  }
0x14: {  	s6 =	sadd.s32 $0x10000, s15;
	s16 =	sadd.s32 $0x4000, s5;
	[dreg:$0x3] =	wrdreg s5  }
0x15: {  	s9 =	simm.s32 $0x600;
	s17 =	sadd.s32 $0x8000, s5;
	[dreg:$0x5] =	wrdreg s16  }
0x16: {  	s15 =	simm.s32 $0x0;
	s18 =	sadd.s32 $0xC000, s5;
	[dreg:$0x6] =	wrdreg s17  }
0x17: {  	s10 =	sadd.s32 $0x10000, s5;
	s8 =	sadd.s32 s7, s21;
	[dreg:$0x7] =	wrdreg s18  }
0x18: {  	s0 =	sadd.s32 s0, s6;
	s6 =	sadd.s32 s6, s2;
	[dreg:$0x8] =	wrdreg s10  }
0x19: {  	s20 =	sadd.s32 $0x55000, s1;
	s21 =	sadd.s32 $0x87400, s1;
	[dreg:$0xb] =	wrdreg s8  }
0x1a: {  	s1 =	simm.s32 $0x180;
	s8 =	sshrl.u32 s23, $0x3;
	[dreg:$0x10] =	wrdreg s6  }
0x1b: {  	s0 =	sshrl.u32 s0, $0x3;
	s23 =	simm.s32 $0x3;
	s8 =	sadd.s32 s7, s8  }
0x1c: {  	s6 =	simm.s32 $0x200;
	s0 =	sadd.s32 s7, s0;
	[dreg:$0xd] =	wrdreg s8  }
0x1d: {  	s10 =	simm.s32 $0x300;
	s8 =	sshrl.u32 s26, $0x3;
	[dreg:$0x11] =	wrdreg s0  }
0x1e: {  	s26 =	simm.s32 $0x4800;
	s0 =	simm.s32 $0x500;
	s8 =	sadd.s32 s7, s8  }
0x1f: {  	v0 =	vimm.f32 $0.0e+00;
	s7 =	simm.s32 $0x580;
	[dreg:$0xf] =	wrdreg s8;
	s8 =	simm.s32 $0x280  }
.LBB2_1:
0x20: {  	s16 =	sand.u32 $0xFE00, s3  }
0x21: {  	s17 =	sand.u32 $0x70, s3;
	s18 =	sshrl.u32 s16, $0x2  }
0x22: {  	s16 =	simm.s32 $0x40;
	s18 =	sor.u32 s17, s18;
	s17 =	simm.s32 $0x0  }
.LBB2_2:
0x23: {  	p0 =	sne.s32 s16, $0xFFC0  }
0x24: {  	[tilespmem:s18+$0x800] =	vst v0;
	s17 =	sadd.s32 $0x10, s17;
	s18 =	smov.u32 s16;
	s16 =	sadd.s32 $0x40, s16  }
.Ltmp0:
0x25: {  	(pc) =	sbr.rel @p0 .LBB2_2-.Ltmp0, $4  }
0x26: {  	_ = 	snop  }
0x27: {  	s18 =	sand.u32 $0xFE00, s18  }
0x28: {  	s19 =	sand.u32 $0x70, s17;
	s18 =	sshrl.u32 s18, $0x2  }
0x29: {  	s18 =	sor.u32 s19, s18  }
0x2a: {  	[tilespmem:s18+$0x800] =	vst v0  }
0x2b: {  	[spmem:s5] =	stream.linear.scatter [tilespmem:s22], [sflag:$0x3], $0x4000, $0x38;
	[tilespmem:$0x1C800] =	vst v63  }
0x2c: {  	_ =	swait.ge [sflag:s23], $0x4000  }
0x2d: {  	[sflag:s23] =	ssyncset.done $0x0  }
0x2e: {  	s19 =	rddreg [dreg:$0x5];
	[sflag:s23] =	ssyncadd.s32 $0xFFFFC000  }
0x2f: {  	[spmem:s19] =	stream.linear.scatter [tilespmem:s22], [sflag:$0x3], $0x4000, $0x38;
	[tilespmem:$0x1C800] =	vst v63  }
0x30: {  	_ =	swait.ge [sflag:s23], $0x4000  }
0x31: {  	[sflag:s23] =	ssyncset.done $0x0  }
0x32: {  	s16 =	rddreg [dreg:$0x6];
	[sflag:s23] =	ssyncadd.s32 $0xFFFFC000  }
0x33: {  	[spmem:s16] =	stream.linear.scatter [tilespmem:s22], [sflag:$0x3], $0x4000, $0x38;
	[tilespmem:$0x1C800] =	vst v63  }
0x34: {  	_ =	swait.ge [sflag:s23], $0x4000  }
0x35: {  	[sflag:s23] =	ssyncset.done $0x0  }
0x36: {  	s17 =	rddreg [dreg:$0x7];
	[sflag:s23] =	ssyncadd.s32 $0xFFFFC000  }
0x37: {  	[spmem:s17] =	stream.linear.scatter [tilespmem:s22], [sflag:$0x3], $0x4000, $0x38;
	[tilespmem:$0x1C800] =	vst v63  }
0x38: {  	_ =	swait.ge [sflag:s23], $0x4000  }
0x39: {  	[sflag:s23] =	ssyncset.done $0x0  }
0x3a: {  	s18 =	rddreg [dreg:$0x8];
	[sflag:s23] =	ssyncadd.s32 $0xFFFFC000  }
0x3b: {  	[spmem:s18] =	stream.linear.scatter [tilespmem:s22], [sflag:$0x3], $0x4000, $0x38;
	[tilespmem:$0x1C800] =	vst v63  }
0x3c: {  	_ =	swait.ge [sflag:s23], $0x4000  }
0x3d: {  	[sflag:s23] =	ssyncset.done $0x0  }
0x3e: {  	[sflag:s23] =	ssyncadd.s32 $0xFFFFC000  }
0x3f: {  	s16 =	sadd.s32 $0x0, s21;
	[bflag:$0x0] =	sbarrier.arrive $0xFFFF  }
0x40: {  	[tilespmem:s3], [sflag:$0x3] =	stream.linear.gather [hbm4b:s16+s3], $0x400, $0x38;
	[tilespmem:$0x1C800] =	vst v63  }
0x41: {  	_ =	swait.ge [sflag:s23], $0x400  }
0x42: {  	[sflag:s23] =	ssyncset.done $0x0  }
0x43: {  	s19 =	sadd.s32 $0x0, s20;
	[sflag:s23] =	ssyncadd.s32 $0xFFFFFC00  }
0x44: {  	[tilespmem:s24], [sflag:$0x3] =	stream.linear.gather [hbm4b:s19+s3], $0x400, $0x38;
	[tilespmem:$0x1C800] =	vst v63  }
0x45: {  	_ =	swait.ge [sflag:s23], $0x400  }
0x46: {  	[sflag:s23] =	ssyncset.done $0x0  }
0x47: {  	[sflag:s23] =	ssyncadd.s32 $0xFFFFFC00  }
0x48: {  	[tilespmem:s22], [sflag:$0x1] =	stream.indirect.gather [hbm4b:s4+s25], $0x80, s3, s25, $0xb8;
	[tilespmem:$0x1C800] =	vst v63  }
0x49: {  	_ = 	snop  }
0x4a: {  	[tilespmem:s26], [sflag:$0x2] =	stream.indirect.gather [hbm4b:s4+s25], $0x80, s25, s25, $0xb8;
	[tilespmem:$0x1C800] =	vst v63  }
0x4b: {  	_ =	swait.ge [sflag:s28], $0x4000  }
0x4c: {  	[sflag:s28] =	ssyncset.done $0x0  }
0x4d: {  	[sflag:s28] =	ssyncadd.s32 $0xFFFFC000  }
0x4e: {  	[spmem:s2] =	stream.indirect.scatter.add.f32 [tilespmem:s22], [sflag:$0x3], $0x80, s24, s25, $0xb8;
	[tilespmem:$0x1C800] =	vst v63  }
0x4f: {  	_ =	swait.ge [sflag:s23], $0x4000  }
0x50: {  	[sflag:s23] =	ssyncset.done $0x0  }
0x51: {  	[sflag:s23] =	ssyncadd.s32 $0xFFFFC000  }
0x52: {  	[tilespmem:s22], [sflag:$0x1] =	stream.indirect.gather [hbm4b:s4+s25], $0x80, s29, s25, $0xb8;
	[tilespmem:$0x1C800] =	vst v63  }
0x53: {  	_ =	swait.ge [sflag:s30], $0x4000  }
0x54: {  	[sflag:s30] =	ssyncset.done $0x0  }
0x55: {  	[sflag:s30] =	ssyncadd.s32 $0xFFFFC000  }
0x56: {  	[spmem:s2] =	stream.indirect.scatter.add.f32 [tilespmem:s26], [sflag:$0x3], $0x80, s31, s25, $0xb8;
	[tilespmem:$0x1C800] =	vst v63  }
0x57: {  	_ =	swait.ge [sflag:s23], $0x4000  }
0x58: {  	[sflag:s23] =	ssyncset.done $0x0  }
0x59: {  	[sflag:s23] =	ssyncadd.s32 $0xFFFFC000  }
0x5a: {  	[tilespmem:s26], [sflag:$0x2] =	stream.indirect.gather [hbm4b:s4+s25], $0x80, s1, s25, $0xb8;
	[tilespmem:$0x1C800] =	vst v63  }
0x5b: {  	_ =	swait.ge [sflag:s28], $0x4000  }
0x5c: {  	[sflag:s28] =	ssyncset.done $0x0  }
0x5d: {  	[sflag:s28] =	ssyncadd.s32 $0xFFFFC000  }
0x5e: {  	[spmem:s2] =	stream.indirect.scatter.add.f32 [tilespmem:s22], [sflag:$0x3], $0x80, s0, s25, $0xb8;
	[tilespmem:$0x1C800] =	vst v63  }
0x5f: {  	_ =	swait.ge [sflag:s23], $0x4000  }
0x60: {  	[sflag:s23] =	ssyncset.done $0x0  }
0x61: {  	[sflag:s23] =	ssyncadd.s32 $0xFFFFC000  }
0x62: {  	[tilespmem:s22], [sflag:$0x1] =	stream.indirect.gather [hbm4b:s4+s25], $0x80, s6, s25, $0xb8;
	[tilespmem:$0x1C800] =	vst v63  }
0x63: {  	_ =	swait.ge [sflag:s30], $0x4000  }
0x64: {  	[sflag:s30] =	ssyncset.done $0x0  }
0x65: {  	[sflag:s30] =	ssyncadd.s32 $0xFFFFC000  }
0x66: {  	[spmem:s2] =	stream.indirect.scatter.add.f32 [tilespmem:s26], [sflag:$0x3], $0x80, s7, s25, $0xb8;
	[tilespmem:$0x1C800] =	vst v63  }
0x67: {  	_ =	swait.ge [sflag:s23], $0x4000  }
0x68: {  	[sflag:s23] =	ssyncset.done $0x0  }
0x69: {  	[sflag:s23] =	ssyncadd.s32 $0xFFFFC000  }
0x6a: {  	[tilespmem:s26], [sflag:$0x2] =	stream.indirect.gather [hbm4b:s4+s25], $0x80, s8, s25, $0xb8;
	[tilespmem:$0x1C800] =	vst v63  }
0x6b: {  	_ =	swait.ge [sflag:s28], $0x4000  }
0x6c: {  	[sflag:s28] =	ssyncset.done $0x0  }
0x6d: {  	[sflag:s28] =	ssyncadd.s32 $0xFFFFC000  }
0x6e: {  	[spmem:s2] =	stream.indirect.scatter.add.f32 [tilespmem:s22], [sflag:$0x3], $0x80, s9, s25, $0xb8;
	[tilespmem:$0x1C800] =	vst v63  }
0x6f: {  	_ =	swait.ge [sflag:s23], $0x4000  }
0x70: {  	[sflag:s23] =	ssyncset.done $0x0  }
0x71: {  	[sflag:s23] =	ssyncadd.s32 $0xFFFFC000  }
0x72: {  	[tilespmem:s22], [sflag:$0x1] =	stream.indirect.gather [hbm4b:s4+s25], $0x80, s10, s25, $0xb8;
	[tilespmem:$0x1C800] =	vst v63  }
0x73: {  	_ =	swait.ge [sflag:s30], $0x4000  }
0x74: {  	[sflag:s30] =	ssyncset.done $0x0  }
0x75: {  	[sflag:s30] =	ssyncadd.s32 $0xFFFFC000  }
0x76: {  	[spmem:s2] =	stream.indirect.scatter.add.f32 [tilespmem:s26], [sflag:$0x3], $0x80, s11, s25, $0xb8;
	[tilespmem:$0x1C800] =	vst v63  }
0x77: {  	_ =	swait.ge [sflag:s23], $0x4000  }
0x78: {  	[sflag:s23] =	ssyncset.done $0x0  }
0x79: {  	[sflag:s23] =	ssyncadd.s32 $0xFFFFC000  }
0x7a: {  	[tilespmem:s26], [sflag:$0x2] =	stream.indirect.gather [hbm4b:s4+s25], $0x80, s12, s25, $0xb8;
	[tilespmem:$0x1C800] =	vst v63  }
0x7b: {  	_ =	swait.ge [sflag:s28], $0x4000  }
0x7c: {  	[sflag:s28] =	ssyncset.done $0x0  }
0x7d: {  	[sflag:s28] =	ssyncadd.s32 $0xFFFFC000  }
0x7e: {  	[spmem:s2] =	stream.indirect.scatter.add.f32 [tilespmem:s22], [sflag:$0x3], $0x80, s13, s25, $0xb8;
	[tilespmem:$0x1C800] =	vst v63  }
0x7f: {  	_ =	swait.ge [sflag:s23], $0x4000  }
0x80: {  	[sflag:s23] =	ssyncset.done $0x0  }
0x81: {  	[sflag:s23] =	ssyncadd.s32 $0xFFFFC000  }
0x82: {  	_ =	swait.ge [sflag:s30], $0x4000  }
0x83: {  	[sflag:s30] =	ssyncset.done $0x0  }
0x84: {  	[sflag:s30] =	ssyncadd.s32 $0xFFFFC000  }
0x85: {  	[spmem:s2] =	stream.indirect.scatter.add.f32 [tilespmem:s26], [sflag:$0x3], $0x80, s14, s25, $0xb8;
	[tilespmem:$0x1C800] =	vst v63  }
0x86: {  	_ =	swait.ge [sflag:s23], $0x4000  }
0x87: {  	s17 =	simm.s32 $0x100;
	s16 =	simm.s32 $0x80;
	[sflag:s23] =	ssyncset.done $0x0  }
.LBB2_4:
0x88: {  	s19 =	sadd.s32 s16, s21  }
0x89: {  	[sflag:s23] =	ssyncadd.s32 $0xFFFFC000;
	s5 =	smov.u32 s17;
	s18 =	sadd.s32 $0x80, s17  }
0x8a: {  	[tilespmem:s3], [sflag:$0x3] =	stream.linear.gather [hbm4b:s19+s3], $0x400, $0x38;
	[tilespmem:$0x1C800] =	vst v63  }
0x8b: {  	p0 =	sne.s32 s17, $0x480;
	_ =	swait.ge [sflag:s23], $0x400  }
0x8c: {  	[sflag:s23] =	ssyncset.done $0x0  }
0x8d: {  	s17 =	sadd.s32 s16, s20;
	s16 =	smov.u32 s5;
	[sflag:s23] =	ssyncadd.s32 $0xFFFFFC00  }
0x8e: {  	[tilespmem:s24], [sflag:$0x3] =	stream.linear.gather [hbm4b:s17+s3], $0x400, $0x38;
	[tilespmem:$0x1C800] =	vst v63  }
0x8f: {  	_ =	swait.ge [sflag:s23], $0x400  }
0x90: {  	[sflag:s23] =	ssyncset.done $0x0  }
0x91: {  	[sflag:s23] =	ssyncadd.s32 $0xFFFFFC00  }
0x92: {  	[tilespmem:s22], [sflag:$0x1] =	stream.indirect.gather [hbm4b:s4+s25], $0x80, s3, s25, $0xb8;
	[tilespmem:$0x1C800] =	vst v63  }
0x93: {  	_ = 	snop  }
0x94: {  	[tilespmem:s26], [sflag:$0x2] =	stream.indirect.gather [hbm4b:s4+s25], $0x80, s25, s25, $0xb8;
	[tilespmem:$0x1C800] =	vst v63  }
0x95: {  	_ =	swait.ge [sflag:s28], $0x4000  }
0x96: {  	[sflag:s28] =	ssyncset.done $0x0  }
0x97: {  	[sflag:s28] =	ssyncadd.s32 $0xFFFFC000  }
0x98: {  	[spmem:s2] =	stream.indirect.scatter.add.f32 [tilespmem:s22], [sflag:$0x3], $0x80, s24, s25, $0xb8;
	[tilespmem:$0x1C800] =	vst v63  }
0x99: {  	_ =	swait.ge [sflag:s23], $0x4000  }
0x9a: {  	[sflag:s23] =	ssyncset.done $0x0  }
0x9b: {  	[sflag:s23] =	ssyncadd.s32 $0xFFFFC000  }
0x9c: {  	[tilespmem:s22], [sflag:$0x1] =	stream.indirect.gather [hbm4b:s4+s25], $0x80, s29, s25, $0xb8;
	[tilespmem:$0x1C800] =	vst v63  }
0x9d: {  	_ =	swait.ge [sflag:s30], $0x4000  }
0x9e: {  	[sflag:s30] =	ssyncset.done $0x0  }
0x9f: {  	[sflag:s30] =	ssyncadd.s32 $0xFFFFC000  }
0xa0: {  	[spmem:s2] =	stream.indirect.scatter.add.f32 [tilespmem:s26], [sflag:$0x3], $0x80, s31, s25, $0xb8;
	[tilespmem:$0x1C800] =	vst v63  }
0xa1: {  	_ =	swait.ge [sflag:s23], $0x4000  }
0xa2: {  	[sflag:s23] =	ssyncset.done $0x0  }
0xa3: {  	[sflag:s23] =	ssyncadd.s32 $0xFFFFC000  }
0xa4: {  	[tilespmem:s26], [sflag:$0x2] =	stream.indirect.gather [hbm4b:s4+s25], $0x80, s1, s25, $0xb8;
	[tilespmem:$0x1C800] =	vst v63  }
0xa5: {  	_ =	swait.ge [sflag:s28], $0x4000  }
0xa6: {  	[sflag:s28] =	ssyncset.done $0x0  }
0xa7: {  	[sflag:s28] =	ssyncadd.s32 $0xFFFFC000  }
0xa8: {  	[spmem:s2] =	stream.indirect.scatter.add.f32 [tilespmem:s22], [sflag:$0x3], $0x80, s0, s25, $0xb8;
	[tilespmem:$0x1C800] =	vst v63  }
0xa9: {  	_ =	swait.ge [sflag:s23], $0x4000  }
0xaa: {  	[sflag:s23] =	ssyncset.done $0x0  }
0xab: {  	[sflag:s23] =	ssyncadd.s32 $0xFFFFC000  }
0xac: {  	[tilespmem:s22], [sflag:$0x1] =	stream.indirect.gather [hbm4b:s4+s25], $0x80, s6, s25, $0xb8;
	[tilespmem:$0x1C800] =	vst v63  }
0xad: {  	_ =	swait.ge [sflag:s30], $0x4000  }
0xae: {  	[sflag:s30] =	ssyncset.done $0x0  }
0xaf: {  	[sflag:s30] =	ssyncadd.s32 $0xFFFFC000  }
0xb0: {  	[spmem:s2] =	stream.indirect.scatter.add.f32 [tilespmem:s26], [sflag:$0x3], $0x80, s7, s25, $0xb8;
	[tilespmem:$0x1C800] =	vst v63  }
0xb1: {  	_ =	swait.ge [sflag:s23], $0x4000  }
0xb2: {  	[sflag:s23] =	ssyncset.done $0x0  }
0xb3: {  	[sflag:s23] =	ssyncadd.s32 $0xFFFFC000  }
0xb4: {  	[tilespmem:s26], [sflag:$0x2] =	stream.indirect.gather [hbm4b:s4+s25], $0x80, s8, s25, $0xb8;
	[tilespmem:$0x1C800] =	vst v63  }
0xb5: {  	_ =	swait.ge [sflag:s28], $0x4000  }
0xb6: {  	[sflag:s28] =	ssyncset.done $0x0  }
0xb7: {  	[sflag:s28] =	ssyncadd.s32 $0xFFFFC000  }
0xb8: {  	[spmem:s2] =	stream.indirect.scatter.add.f32 [tilespmem:s22], [sflag:$0x3], $0x80, s9, s25, $0xb8;
	[tilespmem:$0x1C800] =	vst v63  }
0xb9: {  	_ =	swait.ge [sflag:s23], $0x4000  }
0xba: {  	[sflag:s23] =	ssyncset.done $0x0  }
0xbb: {  	[sflag:s23] =	ssyncadd.s32 $0xFFFFC000  }
0xbc: {  	[tilespmem:s22], [sflag:$0x1] =	stream.indirect.gather [hbm4b:s4+s25], $0x80, s10, s25, $0xb8;
	[tilespmem:$0x1C800] =	vst v63  }
0xbd: {  	_ =	swait.ge [sflag:s30], $0x4000  }
0xbe: {  	[sflag:s30] =	ssyncset.done $0x0  }
0xbf: {  	[sflag:s30] =	ssyncadd.s32 $0xFFFFC000  }
0xc0: {  	[spmem:s2] =	stream.indirect.scatter.add.f32 [tilespmem:s26], [sflag:$0x3], $0x80, s11, s25, $0xb8;
	[tilespmem:$0x1C800] =	vst v63  }
0xc1: {  	_ =	swait.ge [sflag:s23], $0x4000  }
0xc2: {  	[sflag:s23] =	ssyncset.done $0x0  }
0xc3: {  	[sflag:s23] =	ssyncadd.s32 $0xFFFFC000  }
0xc4: {  	[tilespmem:s26], [sflag:$0x2] =	stream.indirect.gather [hbm4b:s4+s25], $0x80, s12, s25, $0xb8;
	[tilespmem:$0x1C800] =	vst v63  }
0xc5: {  	_ =	swait.ge [sflag:s28], $0x4000  }
0xc6: {  	[sflag:s28] =	ssyncset.done $0x0  }
0xc7: {  	[sflag:s28] =	ssyncadd.s32 $0xFFFFC000  }
0xc8: {  	[spmem:s2] =	stream.indirect.scatter.add.f32 [tilespmem:s22], [sflag:$0x3], $0x80, s13, s25, $0xb8;
	[tilespmem:$0x1C800] =	vst v63  }
0xc9: {  	_ =	swait.ge [sflag:s23], $0x4000  }
0xca: {  	[sflag:s23] =	ssyncset.done $0x0  }
0xcb: {  	[sflag:s23] =	ssyncadd.s32 $0xFFFFC000  }
0xcc: {  	_ =	swait.ge [sflag:s30], $0x4000  }
.Ltmp1:
0xcd: {  	[sflag:s30] =	ssyncset.done $0x0;
	(pc) =	sbr.rel @p0 .LBB2_4-.Ltmp1, $4  }
0xce: {  	[sflag:s30] =	ssyncadd.s32 $0xFFFFC000  }
0xcf: {  	[spmem:s2] =	stream.indirect.scatter.add.f32 [tilespmem:s26], [sflag:$0x3], $0x80, s14, s25, $0xb8;
	[tilespmem:$0x1C800] =	vst v63  }
0xd0: {  	_ =	swait.ge [sflag:s23], $0x4000  }
0xd1: {  	s17 =	smov.u32 s18;
	[sflag:s23] =	ssyncset.done $0x0  }
0xd2: {  	s5 =	sadd.s32 s16, s21;
	[sflag:s23] =	ssyncadd.s32 $0xFFFFC000  }
0xd3: {  	[tilespmem:s3], [sflag:$0x3] =	stream.linear.gather [hbm4b:s5+s3], $0x400, $0x38;
	[tilespmem:$0x1C800] =	vst v63  }
0xd4: {  	_ =	swait.ge [sflag:s23], $0x400  }
0xd5: {  	[sflag:s23] =	ssyncset.done $0x0  }
0xd6: {  	s18 =	sadd.s32 s16, s20;
	[sflag:s23] =	ssyncadd.s32 $0xFFFFFC00  }
0xd7: {  	[tilespmem:s24], [sflag:$0x3] =	stream.linear.gather [hbm4b:s18+s3], $0x400, $0x38;
	[tilespmem:$0x1C800] =	vst v63  }
0xd8: {  	_ =	swait.ge [sflag:s23], $0x400  }
0xd9: {  	[sflag:s23] =	ssyncset.done $0x0  }
0xda: {  	[sflag:s23] =	ssyncadd.s32 $0xFFFFFC00  }
0xdb: {  	[tilespmem:s22], [sflag:$0x1] =	stream.indirect.gather [hbm4b:s4+s25], $0x80, s3, s25, $0xb8;
	[tilespmem:$0x1C800] =	vst v63  }
0xdc: {  	_ = 	snop  }
0xdd: {  	[tilespmem:s26], [sflag:$0x2] =	stream.indirect.gather [hbm4b:s4+s25], $0x80, s25, s25, $0xb8;
	[tilespmem:$0x1C800] =	vst v63  }
0xde: {  	_ =	swait.ge [sflag:s28], $0x4000  }
0xdf: {  	[sflag:s28] =	ssyncset.done $0x0  }
0xe0: {  	[sflag:s28] =	ssyncadd.s32 $0xFFFFC000  }
0xe1: {  	[spmem:s2] =	stream.indirect.scatter.add.f32 [tilespmem:s22], [sflag:$0x3], $0x80, s24, s25, $0xb8;
	[tilespmem:$0x1C800] =	vst v63  }
0xe2: {  	_ =	swait.ge [sflag:s23], $0x4000  }
0xe3: {  	[sflag:s23] =	ssyncset.done $0x0  }
0xe4: {  	[sflag:s23] =	ssyncadd.s32 $0xFFFFC000  }
0xe5: {  	[tilespmem:s22], [sflag:$0x1] =	stream.indirect.gather [hbm4b:s4+s25], $0x80, s29, s25, $0xb8;
	[tilespmem:$0x1C800] =	vst v63  }
0xe6: {  	_ =	swait.ge [sflag:s30], $0x4000  }
0xe7: {  	[sflag:s30] =	ssyncset.done $0x0  }
0xe8: {  	[sflag:s30] =	ssyncadd.s32 $0xFFFFC000  }
0xe9: {  	[spmem:s2] =	stream.indirect.scatter.add.f32 [tilespmem:s26], [sflag:$0x3], $0x80, s31, s25, $0xb8;
	[tilespmem:$0x1C800] =	vst v63  }
0xea: {  	_ =	swait.ge [sflag:s23], $0x4000  }
0xeb: {  	[sflag:s23] =	ssyncset.done $0x0  }
0xec: {  	[sflag:s23] =	ssyncadd.s32 $0xFFFFC000  }
0xed: {  	[tilespmem:s26], [sflag:$0x2] =	stream.indirect.gather [hbm4b:s4+s25], $0x80, s1, s25, $0xb8;
	[tilespmem:$0x1C800] =	vst v63  }
0xee: {  	_ =	swait.ge [sflag:s28], $0x4000  }
0xef: {  	[sflag:s28] =	ssyncset.done $0x0  }
0xf0: {  	[sflag:s28] =	ssyncadd.s32 $0xFFFFC000  }
0xf1: {  	[spmem:s2] =	stream.indirect.scatter.add.f32 [tilespmem:s22], [sflag:$0x3], $0x80, s0, s25, $0xb8;
	[tilespmem:$0x1C800] =	vst v63  }
0xf2: {  	_ =	swait.ge [sflag:s23], $0x4000  }
0xf3: {  	[sflag:s23] =	ssyncset.done $0x0  }
0xf4: {  	[sflag:s23] =	ssyncadd.s32 $0xFFFFC000  }
0xf5: {  	[tilespmem:s22], [sflag:$0x1] =	stream.indirect.gather [hbm4b:s4+s25], $0x80, s6, s25, $0xb8;
	[tilespmem:$0x1C800] =	vst v63  }
0xf6: {  	_ =	swait.ge [sflag:s30], $0x4000  }
0xf7: {  	[sflag:s30] =	ssyncset.done $0x0  }
0xf8: {  	[sflag:s30] =	ssyncadd.s32 $0xFFFFC000  }
0xf9: {  	[spmem:s2] =	stream.indirect.scatter.add.f32 [tilespmem:s26], [sflag:$0x3], $0x80, s7, s25, $0xb8;
	[tilespmem:$0x1C800] =	vst v63  }
0xfa: {  	_ =	swait.ge [sflag:s23], $0x4000  }
0xfb: {  	[sflag:s23] =	ssyncset.done $0x0  }
0xfc: {  	[sflag:s23] =	ssyncadd.s32 $0xFFFFC000  }
0xfd: {  	[tilespmem:s26], [sflag:$0x2] =	stream.indirect.gather [hbm4b:s4+s25], $0x80, s8, s25, $0xb8;
	[tilespmem:$0x1C800] =	vst v63  }
0xfe: {  	_ =	swait.ge [sflag:s28], $0x4000  }
0xff: {  	[sflag:s28] =	ssyncset.done $0x0  }
0x100: {  	[sflag:s28] =	ssyncadd.s32 $0xFFFFC000  }
0x101: {  	[spmem:s2] =	stream.indirect.scatter.add.f32 [tilespmem:s22], [sflag:$0x3], $0x80, s9, s25, $0xb8;
	[tilespmem:$0x1C800] =	vst v63  }
0x102: {  	_ =	swait.ge [sflag:s23], $0x4000  }
0x103: {  	[sflag:s23] =	ssyncset.done $0x0  }
0x104: {  	[sflag:s23] =	ssyncadd.s32 $0xFFFFC000  }
0x105: {  	[tilespmem:s22], [sflag:$0x1] =	stream.indirect.gather [hbm4b:s4+s25], $0x80, s10, s25, $0xb8;
	[tilespmem:$0x1C800] =	vst v63  }
0x106: {  	_ =	swait.ge [sflag:s30], $0x4000  }
0x107: {  	[sflag:s30] =	ssyncset.done $0x0  }
0x108: {  	[sflag:s30] =	ssyncadd.s32 $0xFFFFC000  }
0x109: {  	[spmem:s2] =	stream.indirect.scatter.add.f32 [tilespmem:s26], [sflag:$0x3], $0x80, s11, s25, $0xb8;
	[tilespmem:$0x1C800] =	vst v63  }
0x10a: {  	_ =	swait.ge [sflag:s23], $0x4000  }
0x10b: {  	[sflag:s23] =	ssyncset.done $0x0  }
0x10c: {  	[sflag:s23] =	ssyncadd.s32 $0xFFFFC000  }
0x10d: {  	[tilespmem:s26], [sflag:$0x2] =	stream.indirect.gather [hbm4b:s4+s25], $0x80, s12, s25, $0xb8;
	[tilespmem:$0x1C800] =	vst v63  }
0x10e: {  	_ =	swait.ge [sflag:s28], $0x4000  }
0x10f: {  	[sflag:s28] =	ssyncset.done $0x0  }
0x110: {  	[sflag:s28] =	ssyncadd.s32 $0xFFFFC000  }
0x111: {  	[spmem:s2] =	stream.indirect.scatter.add.f32 [tilespmem:s22], [sflag:$0x3], $0x80, s13, s25, $0xb8;
	[tilespmem:$0x1C800] =	vst v63  }
0x112: {  	_ =	swait.ge [sflag:s23], $0x4000  }
0x113: {  	[sflag:s23] =	ssyncset.done $0x0  }
0x114: {  	[sflag:s23] =	ssyncadd.s32 $0xFFFFC000  }
0x115: {  	_ =	swait.ge [sflag:s30], $0x4000  }
0x116: {  	[sflag:s30] =	ssyncset.done $0x0  }
0x117: {  	[sflag:s30] =	ssyncadd.s32 $0xFFFFC000  }
0x118: {  	[spmem:s2] =	stream.indirect.scatter.add.f32 [tilespmem:s26], [sflag:$0x3], $0x80, s14, s25, $0xb8;
	[tilespmem:$0x1C800] =	vst v63  }
0x119: {  	_ =	swait.ge [sflag:s23], $0x4000  }
0x11a: {  	[sflag:s23] =	ssyncset.done $0x0  }
0x11b: {  	[sflag:s23] =	ssyncadd.s32 $0xFFFFC000  }
0x11c: {  	[bflag:$0x0] =	sbarrier.arrive $0xFFFF  }
0x11d: {  	s5 =	rddreg [dreg:$0x3]  }
0x11e: {  	[tilespmem:s22], [sflag:$0x3] =	stream.linear.gather [spmem:s5], $0x4000, $0x38;
	[tilespmem:$0x1C800] =	vst v63  }
0x11f: {  	_ =	swait.ge [sflag:s23], $0x4000  }
0x120: {  	[sflag:s23] =	ssyncset.done $0x0  }
0x121: {  	s19 =	rddreg [dreg:$0x9];
	[sflag:s23] =	ssyncadd.s32 $0xFFFFC000  }
0x122: {  	[hbm4b:s19+s3] =	stream.linear.scatter [tilespmem:s22], [sflag:$0x3], $0x4000, $0x38;
	[tilespmem:$0x1C800] =	vst v63  }
0x123: {  	_ =	swait.ge [sflag:s23], $0x4000  }
0x124: {  	[sflag:s23] =	ssyncset.done $0x0  }
0x125: {  	s17 =	rddreg [dreg:$0xa];
	[sflag:s23] =	ssyncadd.s32 $0xFFFFC000  }
0x126: {  	[tilespmem:s22], [sflag:$0x3] =	stream.linear.gather [spmem:s17], $0x4000, $0x38;
	[tilespmem:$0x1C800] =	vst v63  }
0x127: {  	_ =	swait.ge [sflag:s23], $0x4000  }
0x128: {  	[sflag:s23] =	ssyncset.done $0x0  }
0x129: {  	s18 =	rddreg [dreg:$0xb];
	[sflag:s23] =	ssyncadd.s32 $0xFFFFC000  }
0x12a: {  	[hbm4b:s18+s3] =	stream.linear.scatter [tilespmem:s22], [sflag:$0x3], $0x4000, $0x38;
	[tilespmem:$0x1C800] =	vst v63  }
0x12b: {  	_ =	swait.ge [sflag:s23], $0x4000  }
0x12c: {  	[sflag:s23] =	ssyncset.done $0x0  }
0x12d: {  	s19 =	rddreg [dreg:$0xc];
	[sflag:s23] =	ssyncadd.s32 $0xFFFFC000  }
0x12e: {  	[tilespmem:s22], [sflag:$0x3] =	stream.linear.gather [spmem:s19], $0x4000, $0x38;
	[tilespmem:$0x1C800] =	vst v63  }
0x12f: {  	_ =	swait.ge [sflag:s23], $0x4000  }
0x130: {  	[sflag:s23] =	ssyncset.done $0x0  }
0x131: {  	s17 =	rddreg [dreg:$0xd];
	[sflag:s23] =	ssyncadd.s32 $0xFFFFC000  }
0x132: {  	[hbm4b:s17+s3] =	stream.linear.scatter [tilespmem:s22], [sflag:$0x3], $0x4000, $0x38;
	[tilespmem:$0x1C800] =	vst v63  }
0x133: {  	_ =	swait.ge [sflag:s23], $0x4000  }
0x134: {  	[sflag:s23] =	ssyncset.done $0x0  }
0x135: {  	s18 =	rddreg [dreg:$0xe];
	[sflag:s23] =	ssyncadd.s32 $0xFFFFC000  }
0x136: {  	[tilespmem:s22], [sflag:$0x3] =	stream.linear.gather [spmem:s18], $0x4000, $0x38;
	[tilespmem:$0x1C800] =	vst v63  }
0x137: {  	_ =	swait.ge [sflag:s23], $0x4000  }
0x138: {  	[sflag:s23] =	ssyncset.done $0x0  }
0x139: {  	s19 =	rddreg [dreg:$0xf];
	[sflag:s23] =	ssyncadd.s32 $0xFFFFC000  }
0x13a: {  	[hbm4b:s19+s3] =	stream.linear.scatter [tilespmem:s22], [sflag:$0x3], $0x4000, $0x38;
	[tilespmem:$0x1C800] =	vst v63  }
0x13b: {  	_ =	swait.ge [sflag:s23], $0x4000  }
0x13c: {  	[sflag:s23] =	ssyncset.done $0x0  }
0x13d: {  	s17 =	rddreg [dreg:$0x10];
	[sflag:s23] =	ssyncadd.s32 $0xFFFFC000  }
0x13e: {  	[tilespmem:s22], [sflag:$0x3] =	stream.linear.gather [spmem:s17], $0x4000, $0x38;
	[tilespmem:$0x1C800] =	vst v63  }
0x13f: {  	_ =	swait.ge [sflag:s23], $0x4000  }
0x140: {  	[sflag:s23] =	ssyncset.done $0x0  }
0x141: {  	s18 =	rddreg [dreg:$0x11];
	[sflag:s23] =	ssyncadd.s32 $0xFFFFC000  }
0x142: {  	[hbm4b:s18+s3] =	stream.linear.scatter [tilespmem:s22], [sflag:$0x3], $0x4000, $0x38;
	[tilespmem:$0x1C800] =	vst v63  }
0x143: {  	_ =	swait.ge [sflag:s23], $0x4000  }
0x144: {  	s15 =	sadd.s32 $0x1, s15;
	s19 =	rddreg [dreg:$0x4]  }
0x145: {  	p0 =	sne.s32 s15, s19  }
.Ltmp2:
0x146: {  	_ = 	snop;
	(pc) =	sbr.rel @p0 .LBB2_1-.Ltmp2, $3  }
0x147: {  	_ =	sdelay $0x1  }
0x148: {  	[sflag:s23] =	ssyncset.done $0x0  }
0x149: {  	[sflag:s23] =	ssyncadd.s32 $0xFFFFC000  }
0x14a: {  	_ =	sfence.sel $0x180000  }
0x14b: {  	[bflag:$0x0] =	sbarrier.arrive $0xFFFF  }
0x14c: {  	_ =	strace $0x9000004A  }
0x14d: {  	s0 =	stileid.u32;
	[bflag:$0x2] =	sbarrier.arrive $0xFFFF  }
0x14e: {  	p0 =	sne.s32 s0, $0x0;
	s0 =	rddreg [dreg:$0x2]  }
0x14f: {  	s0 =	sadd.s32 @!p0 $0x100000, s0  }
0x150: {  	[sflag:s0] =	ssyncadd.tile.s32 @!p0 $0x1;
	_ =	shalt  }
.Lfunc_end2:
_tile_overlayer_lowered:
.L_overlay_start_2:
0x151: {  	(tag) =	ssettag $0x2  }
0x152: {  	s0 =	rddreg [dreg:$0x0];
	s2 =	stileid.u32  }
0x153: {  	s1 =	rddreg [dreg:$0x1];
	p0 =	sne.s32 s2, $0x0  }
0x154: {  	s3 =	rddreg [dreg:$0x2];
	[bflag:$0x3] =	sbarrier.arrive $0xFFFF;
	s2 =	simm.s32 @!p0 $0x1C03  }
0x155: {  	[timem:s3], [sflag:s2] =	dma.local @!p0 [hbm:s0], s1  }
0x156: {  	s0 =	simm.s32 @!p0 $0x3  }
0x157: {  	_ =	swait.ge @!p0 [sflag:s0], s1  }
0x158: {  	s1 =	ssub.s32 @!p0 $0x0, s1;
	[sflag:s0] =	ssyncset.done @!p0 $0x0  }
0x159: {  	[sflag:s0] =	ssyncadd.s32 @!p0 s1  }
0x15a: {  	[bflag:$0x3] =	sbarrier.arrive $0xFFFF  }
0x15b: {  	_ =	shalt  }

// kernel: kernel.6.cloned.1.call-start
scs
__scs_entry_jumppad:
0x0: {  	(pc) =	sbr.rel $0x88, $3  }
0x1: {  	(tag) =	ssettag $0x0;
	lr =	simm.s32 $0x1  }
0x2: {  	[smem:$0x3F87] =	sst lr;
	_ =	strace $0xD0000000  }
0x3: {  	_ = 	snop  }
0x4: {  	_ = 	snop  }
0x5: {  	_ = 	snop  }
0x6: {  	_ = 	snop  }
0x7: {  	_ = 	snop  }
__scs_overlays_trampoline_lowered:
0x8: {  	[smem:$0x3F96] =	sst s0  }
0x9: {  	[smem:$0x3F97] =	sst s1  }
0xa: {  	[smem:$0x3F98] =	sst s2  }
0xb: {  	[smem:$0x3F99] =	sst s3  }
0xc: {  	[smem:$0x3F9A] =	sst s4  }
0xd: {  	[smem:$0x3F9B] =	sst s5  }
0xe: {  	[smem:$0x3F9C] =	sst s6  }
0xf: {  	[smem:$0x3F9D] =	sst s7  }
0x10: {  	[smem:$0x3F9E] =	sst s8  }
0x11: {  	[smem:$0x3F9F] =	sst s9;
	s0 =	simm.s32 @!p0 $0x0  }
0x12: {  	s1 =	sld [smem:$0x3F85];
	s0 =	simm.s32 @p0 $0x1  }
0x13: {  	[smem:$0x3FA0] =	sst s0;
	s0 =	simm.s32 @!p1 $0x0  }
0x14: {  	s2 =	sld [smem:$0x3F84];
	s0 =	simm.s32 @p1 $0x1  }
0x15: {  	[smem:$0x3FA1] =	sst s0;
	s0 =	simm.s32 @!p2 $0x0  }
0x16: {  	s3 =	sld [smem:$0x3FDB];
	s0 =	simm.s32 @p2 $0x1  }
0x17: {  	s4 =	simm.s32 $0x1BF5;
	[smem:$0x3FA3] =	sst s0  }
0x18: {  	s0 =	sld [smem:$0x3F86];
	_ =	swait.ge [sflag:s4], $0x0  }
0x19: {  	s7 =	sld [smem:$0x3F87]  }
0x1a: {  	s8 =	sadd.s32 $0xFFFFE003, lr  }
0x1b: {  	s9 =	sadd.s32 $0xFFFFFEF7, lr;
	s5 =	simm.s32 $0xFFFFFFFF;
	p2 =	slt.u32 s8, $0xFFFFF086  }
0x1c: {  	p1 =	slt.u32 s9, $0xF7A;
	s5 =	simm.s32 @!p2 $0x0  }
0x1d: {  	s5 =	simm.s32 @p1 $0x1;
	p0 =	seq.s32 s7, s2  }
0x1e: {  	s7 =	smul.u32 @!p0 $0xF7A, s2;
	p2 =	seq.s32 @!p0 s5, $0x0  }
0x1f: {  	s9 =	smul.u32 $0xF7A, s1;
	s8 =	simm.s32 @!p0 $0x1BF5;
	p2 =	por !p2, p0  }
0x20: {  	[sflag:s8] =	ssyncset.s32 @!p0 $0xFFFFF086;
	s6 =	sadd.s32 @!p0 s3, s7;
	s7 =	simm.s32 @!p0 $0x108  }
0x21: {  	s3 =	sadd.s32 s3, s9;
	s6 =	sadd.s32 @!p0 $0x88, s6;
	s7 =	simm.s32 @p2 $0x1082  }
0x22: {  	[simem:s7], [sflag:s8] =	dma.local @!p0 [hbm:s6], $0xF7A  }
0x23: {  	s9 =	sor.u32 $0xD0000000, s2;
	s6 =	simm.s32 $0x108;
	_ =	swait.ge @!p0 [sflag:s8], $0x0  }
0x24: {  	s3 =	sadd.s32 $0x88, s3;
	s6 =	simm.s32 @!p1 $0x1082;
	[sflag:s4] =	ssyncset.s32 $0xFFFFF086  }
0x25: {  	[simem:s6], [sflag:s4] =	dma.local [hbm:s3], $0xF7A  }
0x26: {  	[smem:$0x3F87] =	sst s1;
	(tag) =	ssettag s2;
	_ =	strace s9  }
0x27: {  	s1 =	sld [smem:$0x3F97]  }
0x28: {  	s2 =	sld [smem:$0x3F98]  }
0x29: {  	s4 =	sld [smem:$0x3F9A]  }
0x2a: {  	p0 =	seq.s32 s5, $0x0;
	s5 =	sld [smem:$0x3F9B]  }
0x2b: {  	s6 =	sld [smem:$0x3F9C]  }
0x2c: {  	s7 =	sld [smem:$0x3F9D]  }
0x2d: {  	s3 =	simm.s32 $0x108;
	s8 =	sld [smem:$0x3F9E]  }
0x2e: {  	s3 =	simm.s32 @!p0 $0x1082;
	s9 =	sld [smem:$0x3F9F]  }
0x2f: {  	lr =	sadd.s32 s0, s3;
	s0 =	sld [smem:$0x3F96]  }
0x30: {  	s3 =	sld [smem:$0x3F99]  }
0x31: {  	[smem:$0x3FA2] =	sst s10  }
0x32: {  	s10 =	sld [smem:$0x3FA0];
	_ =	sdelay $0x3  }
0x33: {  	p0 =	seq.s32 s10, $0x1;
	s10 =	sld [smem:$0x3FA2];
	_ =	sdelay $0x3  }
0x34: {  	[smem:$0x3FA2] =	sst s10  }
0x35: {  	s10 =	sld [smem:$0x3FA1];
	_ =	sdelay $0x3  }
0x36: {  	p1 =	seq.s32 s10, $0x1;
	s10 =	sld [smem:$0x3FA2];
	_ =	sdelay $0x3  }
0x37: {  	[smem:$0x3FA2] =	sst s10  }
0x38: {  	s10 =	sld [smem:$0x3FA3]  }
0x39: {  	_ = 	snop;
	(pc) =	sbr.ind lr, $3  }
0x3a: {  	_ = 	snop  }
0x3b: {  	_ = 	snop  }
0x3c: {  	p2 =	seq.s32 s10, $0x1;
	s10 =	sld [smem:$0x3FA2]  }
0x3d: {  	_ =	shalt  }
0x3e: {  	_ =	shalt  }
0x3f: {  	_ =	shalt  }
0x40: {  	_ =	shalt  }
0x41: {  	_ =	shalt  }
0x42: {  	_ =	shalt  }
0x43: {  	_ =	shalt  }
0x44: {  	_ =	shalt  }
0x45: {  	_ =	shalt  }
0x46: {  	_ =	shalt  }
0x47: {  	_ =	shalt  }
0x48: {  	_ =	shalt  }
0x49: {  	_ =	shalt  }
0x4a: {  	_ =	shalt  }
0x4b: {  	_ =	shalt  }
0x4c: {  	_ =	shalt  }
0x4d: {  	_ =	shalt  }
0x4e: {  	_ =	shalt  }
0x4f: {  	_ =	shalt  }
0x50: {  	_ =	shalt  }
0x51: {  	_ =	shalt  }
0x52: {  	_ =	shalt  }
0x53: {  	_ =	shalt  }
0x54: {  	_ =	shalt  }
0x55: {  	_ =	shalt  }
0x56: {  	_ =	shalt  }
0x57: {  	_ =	shalt  }
0x58: {  	_ =	shalt  }
0x59: {  	_ =	shalt  }
0x5a: {  	_ =	shalt  }
0x5b: {  	_ =	shalt  }
0x5c: {  	_ =	shalt  }
0x5d: {  	_ =	shalt  }
0x5e: {  	_ =	shalt  }
0x5f: {  	_ =	shalt  }
0x60: {  	_ =	shalt  }
0x61: {  	_ =	shalt  }
0x62: {  	_ =	shalt  }
0x63: {  	_ =	shalt  }
0x64: {  	_ =	shalt  }
0x65: {  	_ =	shalt  }
0x66: {  	_ =	shalt  }
0x67: {  	_ =	shalt  }
0x68: {  	_ =	shalt  }
0x69: {  	_ =	shalt  }
0x6a: {  	_ =	shalt  }
0x6b: {  	_ =	shalt  }
0x6c: {  	_ =	shalt  }
0x6d: {  	_ =	shalt  }
0x6e: {  	_ =	shalt  }
0x6f: {  	_ =	shalt  }
0x70: {  	_ =	shalt  }
0x71: {  	_ =	shalt  }
0x72: {  	_ =	shalt  }
0x73: {  	_ =	shalt  }
0x74: {  	_ =	shalt  }
0x75: {  	_ =	shalt  }
0x76: {  	_ =	shalt  }
0x77: {  	_ =	shalt  }
0x78: {  	_ =	shalt  }
0x79: {  	_ =	shalt  }
0x7a: {  	_ =	shalt  }
0x7b: {  	_ =	shalt  }
0x7c: {  	_ =	shalt  }
0x7d: {  	_ =	shalt  }
0x7e: {  	_ =	shalt  }
0x7f: {  	_ =	shalt  }
0x80: {  	_ =	shalt  }
0x81: {  	_ =	shalt  }
0x82: {  	_ =	shalt  }
0x83: {  	_ =	shalt  }
0x84: {  	_ =	shalt  }
0x85: {  	_ =	shalt  }
0x86: {  	_ =	shalt  }
0x87: {  	_ =	shalt  }
.Lfunc_end0:
.L_simem_size_0:
called_computation.1_lowered:
.L_overlay_start_0:
0x88: {  	s2 =	sld [smem:$0x3FD9]  }
0x89: {  	s3 =	sld [smem:$0x3FFE];
	_ =	sdelay $0x1  }
0x8a: {  	s1 =	srdreg.scid  }
0x8b: {  	s0 =	sand.u32 $0x1, s1  }
0x8c: {  	s16 =	sshll.u32 s0, $0xA;
	s2 =	sadd.s32 s3, s2  }
0x8d: {  	s2 =	sadd.s32 s2, s16  }
0x8e: {  	[smem:$0x3FAE] =	sst s2  }
0x8f: {  	_ = 	snop  }
0x90: {  	(tm) =	ssettm $0x1  }
0x91: {  	s17 =	sld [smem:$0x3FFB];
	_ =	sdelay $0x3  }
0x92: {  	_ =	strace s17  }
0x93: {  	s2 =	sld [smem:$0x3FFC];
	_ =	sdelay $0x3  }
0x94: {  	_ =	strace s2  }
0x95: {  	s2 =	sld [smem:$0x3FFD];
	_ =	sdelay $0x3  }
0x96: {  	_ =	strace s2  }
0x97: {  	_ =	strace $0x8FFFFFFF  }
0x98: {  	s18 =	sld [smem:$0x3FDB];
	_ =	sdelay $0x1  }
0x99: {  	s19 =	simm.s32 $_scs_section_size  }
0x9a: {  	s4 =	simm.s32 $_size__tile_overlayer_lowered;
	s5 =	simm.s32 $_tile_overlayer_lowered  }
0x9b: {  	s22 =	simm.s32 $0x1BFF;
	s21 =	sshll.u32 s5, $0x1;
	s2 =	sadd.s32 s19, s18  }
0x9c: {  	s6 =	simm.s32 $0x0;
	s20 =	sshll.u32 s4, $0x1;
	s4 =	sadd.s32 s21, s2  }
0x9d: {  	[timem:s6], [sflag:s22] =	dma.local [hbm:s4], s20  }
0x9e: {  	_ =	swait.ge [sflag:s22], s20  }
0x9f: {  	s3 =	ssub.s32 $0x0, s20;
	[sflag:s22] =	ssyncset.done $0x0  }
0xa0: {  	[sflag:s22] =	ssyncadd.s32 s3;
	_ =	sdelay $0x1  }
0xa1: {  	s23 =	simm.s32 $0x1B8B  }
0xa2: {  	_ =	swait.ge [sflag:s23], $0x1  }
0xa3: {  	[sflag:s23] =	ssyncset.done $0x0  }
0xa4: {  	s25 =	simm.s32 $0x1B8E;
	s24 =	sld [smem:$0x3FFE];
	[sflag:s23] =	ssyncadd.s32 $0xFFFFFFFF  }
0xa5: {  	s26 =	simm.s32 $execute0_lowered;
	[smem:$0x3FD2] =	sst s25  }
0xa6: {  	s4 =	sshll.u32 s26, $0x1;
	_ =	strace $0x80000046;
	[dreg:$0x1] =	wrdreg $0xFFFFFFFF  }
0xa7: {  	s28 =	simm.s32 $_size_execute0_lowered;
	s2 =	sadd.s32 s2, s4;
	[dreg:$0x0] =	wrdreg $0x0  }
0xa8: {  	s4 =	sshll.u32 s28, $0x1;
	[dreg:$0x2] =	wrdreg s2  }
0xa9: {  	[dreg:$0x3] =	wrdreg s4  }
0xaa: {  	[dreg:$0x4] =	wrdreg $0xC0  }
0xab: {  	_ =	task [dreg:s6], $0x5FFFF  }
0xac: {  	[dreg:$0x1] =	wrdreg $0xFFFFFFFF  }
0xad: {  	[dreg:$0x0] =	wrdreg $0x60  }
0xae: {  	[dreg:$0x2] =	wrdreg s24  }
0xaf: {  	[dreg:$0x3] =	wrdreg $0x60800  }
0xb0: {  	[dreg:$0x4] =	wrdreg $0x9  }
0xb1: {  	_ =	task.clear_ibuf [dreg:s6], $0x5FFFF;
	_ =	strace $0x90000046  }
0xb2: {  	s29 =	simm.s32 $0x9;
	_ =	strace $0x80000048  }
0xb3: {  	_ =	swait.ge [sflag:s29], $0x1  }
0xb4: {  	[sflag:s29] =	ssyncadd.s32 $0xFFFFFFFF  }
0xb5: {  	_ =	strace $0x90000048  }
0xb6: {  	_ =	sfence  }
0xb7: {  	s30 =	sld [smem:$0x0];
	_ =	sdelay $0x2  }
0xb8: {  	s31 =	sshll.u32 s1, $0xD;
	s1 =	sshrl.u32 s1, $0x2  }
0xb9: {  	s3 =	sand.u32 $0x4000, s31;
	s1 =	sadd.s32 s1, s30  }
0xba: {  	s0 =	sor.u32 s3, s0;
	s1 =	sshll.u32 s1, $0x11  }
0xbb: {  	s0 =	sor.u32 s1, s0  }
0xbc: {  	s0 =	sadd.s32 $0x8F2B, s0  }
0xbd: {  	[sflag:s0] =	ssyncadd.remote.s32 $0x1  }
0xbe: {  	_ =	sfence.sel $0xFFFF  }
0xbf: {  	[dreg:$0x0] =	wrdreg $0xFFFFFFFF;
	(pc) =	sbr.abs _section_cstart, $3  }
0xc0: {  	[dreg:$0x1] =	wrdreg $0xFFFFFFFF  }
0xc1: {  	_ =	task.clear_ibuf [dreg:s6], $0x2FFFF;
	_ =	strace $0x9FFFFFFF  }
0xc2: {  	(tm) =	ssettm $0x7FFFFFFF  }
0xc3: {  	_ =	shalt  }
tec
execute0_lowered:
.L_overlay_start_1:
0x0: {  	(tag) =	ssettag $0x1  }
0x1: {  	s0 =	srdreg.scid;
	s13 =	stileid.u32  }
0x2: {  	s0 =	sand.u32 $0x1, s0;
	s5 =	smul.u32 $0x14000, s13  }
0x3: {  	s4 =	rddreg [dreg:$0x0];
	s2 =	smul.u32 $0x5000, s0  }
0x4: {  	s1 =	rddreg [dreg:$0x1];
	s3 =	smul.u32 $0x140000, s0;
	s0 =	ssub.s32 $0x2, s0  }
0x5: {  	s7 =	smul.u32 $0x50000, s13;
	s6 =	sshrl.u32 s0, $0x1;
	s8 =	sor.u32 $0x2000, s5  }
0x6: {  	s9 =	sadd.s32 $0x4000, s5;
	s11 =	sadd.s32 $0x6000, s5;
	s20 =	sadd.s32 $0xA000, s5  }
0x7: {  	s21 =	sadd.s32 $0xC000, s5;
	s22 =	sadd.s32 $0xE000, s5;
	s2 =	sadd.s32 s2, s4  }
0x8: {  	s4 =	sadd.s32 $0xF000, s4;
	s0 =	ssub.s32 s0, s6;
	s23 =	sadd.s32 s3, s5  }
0x9: {  	s24 =	sadd.s32 s3, s8;
	s10 =	sadd.s32 s3, s9;
	s26 =	sadd.s32 s3, s11  }
0xa: {  	s16 =	sadd.s32 s3, s21;
	s18 =	sadd.s32 s3, s22;
	s21 =	sadd.s32 s21, s1  }
0xb: {  	s22 =	sadd.s32 s22, s1;
	s6 =	sshrl.u32 s23, $0x3;
	s25 =	sshrl.u32 s10, $0x3  }
0xc: {  	s12 =	sshrl.u32 s26, $0x3;
	s10 =	sadd.s32 $0x8000, s5;
	s17 =	sshrl.u32 s16, $0x3  }
0xd: {  	s23 =	sadd.s32 $0x10000, s5;
	s5 =	sadd.s32 $0x12000, s5;
	s26 =	sshrl.u32 s7, $0x2  }
0xe: {  	s0 =	smax.u32 s0, $0x1;
	s16 =	sadd.s32 s8, s1;
	s7 =	simm.s32 $0x80  }
0xf: {  	s8 =	simm.s32 $0x0;
	s6 =	sadd.s32 s4, s6;
	s14 =	sadd.s32 s3, s10  }
0x10: {  	s19 =	sadd.s32 s3, s23;
	[dreg:$0x3] =	wrdreg s6;
	s6 =	sshrl.u32 s24, $0x3  }
0x11: {  	s23 =	sadd.s32 s23, s1;
	s24 =	sshrl.u32 s19, $0x3;
	s6 =	sadd.s32 s4, s6  }
0x12: {  	s19 =	sadd.s32 s10, s1;
	[dreg:$0x4] =	wrdreg s6;
	s6 =	sadd.s32 s4, s25  }
0x13: {  	s25 =	smul.u32 $0x500, s13;
	s13 =	simm.s32 $0x0;
	[dreg:$0x5] =	wrdreg s6  }
0x14: {  	s6 =	sadd.s32 s4, s12;
	s12 =	sadd.s32 s3, s20;
	[smem:$0x7FF] =	sst s13  }
0x15: {  	s3 =	sadd.s32 s3, s5;
	s20 =	sadd.s32 s20, s1;
	[dreg:$0x6] =	wrdreg s6  }
0x16: {  	s6 =	sshrl.u32 s14, $0x3;
	s15 =	sshrl.u32 s12, $0x3;
	s3 =	sshrl.u32 s3, $0x3  }
0x17: {  	s2 =	sadd.s32 s25, s2;
	s14 =	sadd.s32 s26, s1;
	s6 =	sadd.s32 s4, s6  }
0x18: {  	s3 =	sadd.s32 s4, s3;
	s25 =	sadd.s32 $0x5000, s2;
	s26 =	sadd.s32 $0x2000, s14  }
0x19: {  	s28 =	sadd.s32 $0x4000, s14;
	s29 =	sadd.s32 $0x6000, s14;
	s30 =	sadd.s32 $0x8000, s14  }
0x1a: {  	s31 =	sadd.s32 $0xA000, s14;
	[dreg:$0x7] =	wrdreg s6;
	s6 =	sadd.s32 s4, s15  }
0x1b: {  	s10 =	sadd.s32 $0xC000, s14;
	[dreg:$0x8] =	wrdreg s6;
	s6 =	sadd.s32 s4, s17  }
0x1c: {  	s2 =	sadd.s32 $0x10000, s14;
	[dreg:$0x9] =	wrdreg s6;
	s6 =	sshrl.u32 s18, $0x3  }
0x1d: {  	[dreg:$0xc] =	wrdreg s3;
	s3 =	sadd.s32 $0x12000, s14;
	s6 =	sadd.s32 s4, s6  }
0x1e: {  	s17 =	sadd.s32 s9, s1;
	s18 =	sadd.s32 s11, s1;
	[dreg:$0xa] =	wrdreg s6  }
0x1f: {  	s6 =	sadd.s32 s4, s24;
	s24 =	sadd.s32 s5, s1;
	s4 =	simm.s32 $0x4080  }
0x20: {  	s5 =	simm.s32 $0x1;
	[dreg:$0xb] =	wrdreg s6;
	s6 =	simm.s32 $0x4000  }
0x21: {  	v0 =	vimm.f32 $1.000000000e+00;
	v1 =	vimm.f32 $0.0e+00;
	_ =	strace $0x80000047;
	[dreg:$0xd] =	wrdreg s0;
	s0 =	sadd.s32 $0xE000, s14  }
.LBB2_1:
0x22: {  	s9 =	simm.s32 $0x0  }
.LBB2_2:
0x23: {  	p0 =	sne.s32 s9, $0xFE00  }
.Ltmp0:
0x24: {  	_ = 	snop;
	(pc) =	sbr.rel @p0 .LBB2_2-.Ltmp0, $3  }
0x25: {  	_ =	sdelay $0x1  }
0x26: {  	s11 =	sshra.s32 s9, $0x2  }
0x27: {  	s9 =	sadd.s32 $0x200, s9;
	[tilespmem:s11+$0x0] =	vst v0  }
0x28: {  	s9 =	simm.s32 $0x200;
	s11 =	simm.s32 $0x0  }
.LBB2_4:
0x29: {  	p0 =	sne.s32 s9, $0x7E00;
	[tilespmem:s11+$0x4080] =	vst v1;
	s11 =	smov.u32 s9;
	s9 =	sadd.s32 $0x200, s9  }
.Ltmp1:
0x2a: {  	(pc) =	sbr.rel @p0 .LBB2_4-.Ltmp1, $2  }
0x2b: {  	_ =	sdelay $0x2  }
0x2c: {  	s11 =	sshra.s32 s11, $0x2  }
0x2d: {  	[tilespmem:s11+$0x4080] =	vst v1  }
0x2e: {  	[spmem:s14] =	stream.linear.scatter [tilespmem:s4], [sflag:$0x1], $0x2000, $0x38;
	[tilespmem:$0x8880] =	vst v63  }
0x2f: {  	_ =	swait.ge [sflag:s5], $0x2000  }
0x30: {  	[sflag:s5] =	ssyncset.done $0x0  }
0x31: {  	[sflag:s5] =	ssyncadd.s32 $0xFFFFE000  }
0x32: {  	[spmem:s26] =	stream.linear.scatter [tilespmem:s4], [sflag:$0x1], $0x2000, $0x38;
	[tilespmem:$0x8880] =	vst v63  }
0x33: {  	_ =	swait.ge [sflag:s5], $0x2000  }
0x34: {  	[sflag:s5] =	ssyncset.done $0x0  }
0x35: {  	[sflag:s5] =	ssyncadd.s32 $0xFFFFE000  }
0x36: {  	[spmem:s28] =	stream.linear.scatter [tilespmem:s4], [sflag:$0x1], $0x2000, $0x38;
	[tilespmem:$0x8880] =	vst v63  }
0x37: {  	_ =	swait.ge [sflag:s5], $0x2000  }
0x38: {  	[sflag:s5] =	ssyncset.done $0x0  }
0x39: {  	[sflag:s5] =	ssyncadd.s32 $0xFFFFE000  }
0x3a: {  	[spmem:s29] =	stream.linear.scatter [tilespmem:s4], [sflag:$0x1], $0x2000, $0x38;
	[tilespmem:$0x8880] =	vst v63  }
0x3b: {  	_ =	swait.ge [sflag:s5], $0x2000  }
0x3c: {  	[sflag:s5] =	ssyncset.done $0x0  }
0x3d: {  	[sflag:s5] =	ssyncadd.s32 $0xFFFFE000  }
0x3e: {  	[spmem:s30] =	stream.linear.scatter [tilespmem:s4], [sflag:$0x1], $0x2000, $0x38;
	[tilespmem:$0x8880] =	vst v63  }
0x3f: {  	_ =	swait.ge [sflag:s5], $0x2000  }
0x40: {  	[sflag:s5] =	ssyncset.done $0x0  }
0x41: {  	[sflag:s5] =	ssyncadd.s32 $0xFFFFE000  }
0x42: {  	[spmem:s31] =	stream.linear.scatter [tilespmem:s4], [sflag:$0x1], $0x2000, $0x38;
	[tilespmem:$0x8880] =	vst v63  }
0x43: {  	_ =	swait.ge [sflag:s5], $0x2000  }
0x44: {  	[sflag:s5] =	ssyncset.done $0x0  }
0x45: {  	[sflag:s5] =	ssyncadd.s32 $0xFFFFE000  }
0x46: {  	[spmem:s10] =	stream.linear.scatter [tilespmem:s4], [sflag:$0x1], $0x2000, $0x38;
	[tilespmem:$0x8880] =	vst v63  }
0x47: {  	_ =	swait.ge [sflag:s5], $0x2000  }
0x48: {  	[sflag:s5] =	ssyncset.done $0x0  }
0x49: {  	[sflag:s5] =	ssyncadd.s32 $0xFFFFE000  }
0x4a: {  	[spmem:s0] =	stream.linear.scatter [tilespmem:s4], [sflag:$0x1], $0x2000, $0x38;
	[tilespmem:$0x8880] =	vst v63  }
0x4b: {  	_ =	swait.ge [sflag:s5], $0x2000  }
0x4c: {  	[sflag:s5] =	ssyncset.done $0x0  }
0x4d: {  	[sflag:s5] =	ssyncadd.s32 $0xFFFFE000  }
0x4e: {  	[spmem:s2] =	stream.linear.scatter [tilespmem:s4], [sflag:$0x1], $0x2000, $0x38;
	[tilespmem:$0x8880] =	vst v63  }
0x4f: {  	_ =	swait.ge [sflag:s5], $0x2000  }
0x50: {  	[sflag:s5] =	ssyncset.done $0x0  }
0x51: {  	[sflag:s5] =	ssyncadd.s32 $0xFFFFE000  }
0x52: {  	[spmem:s3] =	stream.linear.scatter [tilespmem:s4], [sflag:$0x1], $0x2000, $0x38;
	[tilespmem:$0x8880] =	vst v63  }
0x53: {  	_ =	swait.ge [sflag:s5], $0x2000  }
0x54: {  	[sflag:s5] =	ssyncset.done $0x0  }
0x55: {  	[sflag:s5] =	ssyncadd.s32 $0xFFFFE000  }
0x56: {  	s9 =	sadd.s32 $0x0, s25;
	[bflag:$0x0] =	sbarrier.arrive $0xFFFF  }
0x57: {  	[tilespmem:s6], [sflag:$0x1] =	stream.linear.gather [hbm4b:s9+s13], $0x80, $0x38;
	[tilespmem:$0x8880] =	vst v63  }
0x58: {  	_ =	swait.ge [sflag:s5], $0x80  }
0x59: {  	[sflag:s5] =	ssyncset.done $0x0  }
0x5a: {  	[sflag:s5] =	ssyncadd.s32 $0xFFFFFF80  }
0x5b: {  	[spmem:s1] =	stream.indirect.scatter.add.f32 [tilespmem:s13], [sflag:$0x1], $0x10, s6, s7, $0xb8;
	[tilespmem:$0x8880] =	vst v63  }
0x5c: {  	_ =	swait.ge [sflag:s5], $0x800  }
0x5d: {  	s11 =	simm.s32 $0x20;
	s9 =	simm.s32 $0x10;
	[sflag:s5] =	ssyncset.done $0x0  }
.LBB2_6:
0x5e: {  	s12 =	sadd.s32 s9, s25  }
0x5f: {  	[sflag:s5] =	ssyncadd.s32 $0xFFFFF800;
	s9 =	smov.u32 s11;
	s15 =	sadd.s32 $0x10, s11  }
0x60: {  	[tilespmem:s6], [sflag:$0x1] =	stream.linear.gather [hbm4b:s12+s13], $0x80, $0x38;
	[tilespmem:$0x8880] =	vst v63  }
0x61: {  	p0 =	sne.s32 s11, $0x4F0;
	_ =	swait.ge [sflag:s5], $0x80  }
.Ltmp2:
0x62: {  	[sflag:s5] =	ssyncset.done $0x0;
	(pc) =	sbr.rel @p0 .LBB2_6-.Ltmp2, $4  }
0x63: {  	[sflag:s5] =	ssyncadd.s32 $0xFFFFFF80  }
0x64: {  	[spmem:s1] =	stream.indirect.scatter.add.f32 [tilespmem:s13], [sflag:$0x1], $0x10, s6, s7, $0xb8;
	[tilespmem:$0x8880] =	vst v63  }
0x65: {  	_ =	swait.ge [sflag:s5], $0x800  }
0x66: {  	s11 =	smov.u32 s15;
	[sflag:s5] =	ssyncset.done $0x0  }
0x67: {  	s9 =	sadd.s32 s9, s25;
	[sflag:s5] =	ssyncadd.s32 $0xFFFFF800  }
0x68: {  	[tilespmem:s6], [sflag:$0x1] =	stream.linear.gather [hbm4b:s9+s13], $0x80, $0x38;
	[tilespmem:$0x8880] =	vst v63  }
0x69: {  	_ =	swait.ge [sflag:s5], $0x80  }
0x6a: {  	[sflag:s5] =	ssyncset.done $0x0  }
0x6b: {  	[sflag:s5] =	ssyncadd.s32 $0xFFFFFF80  }
0x6c: {  	[spmem:s1] =	stream.indirect.scatter.add.f32 [tilespmem:s13], [sflag:$0x1], $0x10, s6, s7, $0xb8;
	[tilespmem:$0x8880] =	vst v63  }
0x6d: {  	_ =	swait.ge [sflag:s5], $0x800  }
0x6e: {  	[sflag:s5] =	ssyncset.done $0x0  }
0x6f: {  	[sflag:s5] =	ssyncadd.s32 $0xFFFFF800  }
0x70: {  	[bflag:$0x0] =	sbarrier.arrive $0xFFFF  }
0x71: {  	[tilespmem:s4], [sflag:$0x1] =	stream.linear.gather [spmem:s14], $0x2000, $0x38;
	[tilespmem:$0x8880] =	vst v63  }
0x72: {  	_ =	swait.ge [sflag:s5], $0x2000  }
0x73: {  	[sflag:s5] =	ssyncset.done $0x0  }
0x74: {  	s12 =	rddreg [dreg:$0x3];
	[sflag:s5] =	ssyncadd.s32 $0xFFFFE000  }
0x75: {  	[hbm4b:s12+s13] =	stream.linear.scatter [tilespmem:s4], [sflag:$0x1], $0x2000, $0x38;
	[tilespmem:$0x8880] =	vst v63  }
0x76: {  	_ =	swait.ge [sflag:s5], $0x2000  }
0x77: {  	[sflag:s5] =	ssyncset.done $0x0  }
0x78: {  	[sflag:s5] =	ssyncadd.s32 $0xFFFFE000  }
0x79: {  	[tilespmem:s4], [sflag:$0x1] =	stream.linear.gather [spmem:s16], $0x2000, $0x38;
	[tilespmem:$0x8880] =	vst v63  }
0x7a: {  	_ =	swait.ge [sflag:s5], $0x2000  }
0x7b: {  	[sflag:s5] =	ssyncset.done $0x0  }
0x7c: {  	s15 =	rddreg [dreg:$0x4];
	[sflag:s5] =	ssyncadd.s32 $0xFFFFE000  }
0x7d: {  	[hbm4b:s15+s13] =	stream.linear.scatter [tilespmem:s4], [sflag:$0x1], $0x2000, $0x38;
	[tilespmem:$0x8880] =	vst v63  }
0x7e: {  	_ =	swait.ge [sflag:s5], $0x2000  }
0x7f: {  	[sflag:s5] =	ssyncset.done $0x0  }
0x80: {  	[sflag:s5] =	ssyncadd.s32 $0xFFFFE000  }
0x81: {  	[tilespmem:s4], [sflag:$0x1] =	stream.linear.gather [spmem:s17], $0x2000, $0x38;
	[tilespmem:$0x8880] =	vst v63  }
0x82: {  	_ =	swait.ge [sflag:s5], $0x2000  }
0x83: {  	[sflag:s5] =	ssyncset.done $0x0  }
0x84: {  	s11 =	rddreg [dreg:$0x5];
	[sflag:s5] =	ssyncadd.s32 $0xFFFFE000  }
0x85: {  	[hbm4b:s11+s13] =	stream.linear.scatter [tilespmem:s4], [sflag:$0x1], $0x2000, $0x38;
	[tilespmem:$0x8880] =	vst v63  }
0x86: {  	_ =	swait.ge [sflag:s5], $0x2000  }
0x87: {  	[sflag:s5] =	ssyncset.done $0x0  }
0x88: {  	[sflag:s5] =	ssyncadd.s32 $0xFFFFE000  }
0x89: {  	[tilespmem:s4], [sflag:$0x1] =	stream.linear.gather [spmem:s18], $0x2000, $0x38;
	[tilespmem:$0x8880] =	vst v63  }
0x8a: {  	_ =	swait.ge [sflag:s5], $0x2000  }
0x8b: {  	[sflag:s5] =	ssyncset.done $0x0  }
0x8c: {  	s12 =	rddreg [dreg:$0x6];
	[sflag:s5] =	ssyncadd.s32 $0xFFFFE000  }
0x8d: {  	[hbm4b:s12+s13] =	stream.linear.scatter [tilespmem:s4], [sflag:$0x1], $0x2000, $0x38;
	[tilespmem:$0x8880] =	vst v63  }
0x8e: {  	_ =	swait.ge [sflag:s5], $0x2000  }
0x8f: {  	[sflag:s5] =	ssyncset.done $0x0  }
0x90: {  	[sflag:s5] =	ssyncadd.s32 $0xFFFFE000  }
0x91: {  	[tilespmem:s4], [sflag:$0x1] =	stream.linear.gather [spmem:s19], $0x2000, $0x38;
	[tilespmem:$0x8880] =	vst v63  }
0x92: {  	_ =	swait.ge [sflag:s5], $0x2000  }
0x93: {  	[sflag:s5] =	ssyncset.done $0x0  }
0x94: {  	s15 =	rddreg [dreg:$0x7];
	[sflag:s5] =	ssyncadd.s32 $0xFFFFE000  }
0x95: {  	[hbm4b:s15+s13] =	stream.linear.scatter [tilespmem:s4], [sflag:$0x1], $0x2000, $0x38;
	[tilespmem:$0x8880] =	vst v63  }
0x96: {  	_ =	swait.ge [sflag:s5], $0x2000  }
0x97: {  	[sflag:s5] =	ssyncset.done $0x0  }
0x98: {  	[sflag:s5] =	ssyncadd.s32 $0xFFFFE000  }
0x99: {  	[tilespmem:s4], [sflag:$0x1] =	stream.linear.gather [spmem:s20], $0x2000, $0x38;
	[tilespmem:$0x8880] =	vst v63  }
0x9a: {  	_ =	swait.ge [sflag:s5], $0x2000  }
0x9b: {  	[sflag:s5] =	ssyncset.done $0x0  }
0x9c: {  	s11 =	rddreg [dreg:$0x8];
	[sflag:s5] =	ssyncadd.s32 $0xFFFFE000  }
0x9d: {  	[hbm4b:s11+s13] =	stream.linear.scatter [tilespmem:s4], [sflag:$0x1], $0x2000, $0x38;
	[tilespmem:$0x8880] =	vst v63  }
0x9e: {  	_ =	swait.ge [sflag:s5], $0x2000  }
0x9f: {  	[sflag:s5] =	ssyncset.done $0x0  }
0xa0: {  	[sflag:s5] =	ssyncadd.s32 $0xFFFFE000  }
0xa1: {  	[tilespmem:s4], [sflag:$0x1] =	stream.linear.gather [spmem:s21], $0x2000, $0x38;
	[tilespmem:$0x8880] =	vst v63  }
0xa2: {  	_ =	swait.ge [sflag:s5], $0x2000  }
0xa3: {  	[sflag:s5] =	ssyncset.done $0x0  }
0xa4: {  	s12 =	rddreg [dreg:$0x9];
	[sflag:s5] =	ssyncadd.s32 $0xFFFFE000  }
0xa5: {  	[hbm4b:s12+s13] =	stream.linear.scatter [tilespmem:s4], [sflag:$0x1], $0x2000, $0x38;
	[tilespmem:$0x8880] =	vst v63  }
0xa6: {  	_ =	swait.ge [sflag:s5], $0x2000  }
0xa7: {  	[sflag:s5] =	ssyncset.done $0x0  }
0xa8: {  	[sflag:s5] =	ssyncadd.s32 $0xFFFFE000  }
0xa9: {  	[tilespmem:s4], [sflag:$0x1] =	stream.linear.gather [spmem:s22], $0x2000, $0x38;
	[tilespmem:$0x8880] =	vst v63  }
0xaa: {  	_ =	swait.ge [sflag:s5], $0x2000  }
0xab: {  	[sflag:s5] =	ssyncset.done $0x0  }
0xac: {  	s15 =	rddreg [dreg:$0xa];
	[sflag:s5] =	ssyncadd.s32 $0xFFFFE000  }
0xad: {  	[hbm4b:s15+s13] =	stream.linear.scatter [tilespmem:s4], [sflag:$0x1], $0x2000, $0x38;
	[tilespmem:$0x8880] =	vst v63  }
0xae: {  	_ =	swait.ge [sflag:s5], $0x2000  }
0xaf: {  	[sflag:s5] =	ssyncset.done $0x0  }
0xb0: {  	[sflag:s5] =	ssyncadd.s32 $0xFFFFE000  }
0xb1: {  	[tilespmem:s4], [sflag:$0x1] =	stream.linear.gather [spmem:s23], $0x2000, $0x38;
	[tilespmem:$0x8880] =	vst v63  }
0xb2: {  	_ =	swait.ge [sflag:s5], $0x2000  }
0xb3: {  	[sflag:s5] =	ssyncset.done $0x0  }
0xb4: {  	s11 =	rddreg [dreg:$0xb];
	[sflag:s5] =	ssyncadd.s32 $0xFFFFE000  }
0xb5: {  	[hbm4b:s11+s13] =	stream.linear.scatter [tilespmem:s4], [sflag:$0x1], $0x2000, $0x38;
	[tilespmem:$0x8880] =	vst v63  }
0xb6: {  	_ =	swait.ge [sflag:s5], $0x2000  }
0xb7: {  	[sflag:s5] =	ssyncset.done $0x0  }
0xb8: {  	[sflag:s5] =	ssyncadd.s32 $0xFFFFE000  }
0xb9: {  	[tilespmem:s4], [sflag:$0x1] =	stream.linear.gather [spmem:s24], $0x2000, $0x38;
	[tilespmem:$0x8880] =	vst v63  }
0xba: {  	_ =	swait.ge [sflag:s5], $0x2000  }
0xbb: {  	[sflag:s5] =	ssyncset.done $0x0  }
0xbc: {  	s12 =	rddreg [dreg:$0xc];
	[sflag:s5] =	ssyncadd.s32 $0xFFFFE000  }
0xbd: {  	[hbm4b:s12+s13] =	stream.linear.scatter [tilespmem:s4], [sflag:$0x1], $0x2000, $0x38;
	[tilespmem:$0x8880] =	vst v63  }
0xbe: {  	_ =	swait.ge [sflag:s5], $0x2000  }
0xbf: {  	s8 =	sadd.s32 $0x1, s8;
	s15 =	rddreg [dreg:$0xd]  }
0xc0: {  	p0 =	sne.s32 s8, s15  }
.Ltmp3:
0xc1: {  	_ = 	snop;
	(pc) =	sbr.rel @p0 .LBB2_1-.Ltmp3, $3  }
0xc2: {  	_ =	sdelay $0x1  }
0xc3: {  	[sflag:s5] =	ssyncset.done $0x0  }
0xc4: {  	[sflag:s5] =	ssyncadd.s32 $0xFFFFE000  }
0xc5: {  	_ =	sfence.sel $0x180000  }
0xc6: {  	[bflag:$0x0] =	sbarrier.arrive $0xFFFF  }
0xc7: {  	_ =	strace $0x90000047  }
0xc8: {  	s0 =	stileid.u32;
	[bflag:$0x2] =	sbarrier.arrive $0xFFFF  }
0xc9: {  	p0 =	sne.s32 s0, $0x0;
	s0 =	rddreg [dreg:$0x2]  }
0xca: {  	s0 =	sadd.s32 @!p0 $0x100000, s0  }
0xcb: {  	[sflag:s0] =	ssyncadd.tile.s32 @!p0 $0x1;
	_ =	shalt  }
.Lfunc_end2:
_tile_overlayer_lowered:
.L_overlay_start_2:
0xcc: {  	(tag) =	ssettag $0x2  }
0xcd: {  	s0 =	rddreg [dreg:$0x0];
	s2 =	stileid.u32  }
0xce: {  	s1 =	rddreg [dreg:$0x1];
	p0 =	sne.s32 s2, $0x0  }
0xcf: {  	s3 =	rddreg [dreg:$0x2];
	[bflag:$0x3] =	sbarrier.arrive $0xFFFF;
	s2 =	simm.s32 @!p0 $0x1C01  }
0xd0: {  	[timem:s3], [sflag:s2] =	dma.local @!p0 [hbm:s0], s1  }
0xd1: {  	s0 =	simm.s32 @!p0 $0x1  }
0xd2: {  	_ =	swait.ge @!p0 [sflag:s0], s1  }
0xd3: {  	s1 =	ssub.s32 @!p0 $0x0, s1;
	[sflag:s0] =	ssyncset.done @!p0 $0x0  }
0xd4: {  	[sflag:s0] =	ssyncadd.s32 @!p0 s1  }
0xd5: {  	[bflag:$0x3] =	sbarrier.arrive $0xFFFF  }
0xd6: {  	_ =	shalt  }

</sc_bundles>
